<compile_context>
chip_gen: v7x
topology: tpu7x:2x2x1
jax: 0.10.2.dev20260603
libtpu: 0.0.44.dev20260713+nightly
codegen_flags: <defaults>
</compile_context>

<pallas_src>
import functools

import jax
import jax.numpy as jnp
from jax import lax
from jax.experimental import pallas as pl
from jax.experimental.pallas import tpu as pltpu
from jax.experimental.pallas import tpu_sc as plsc

_B = 4096
_V = 100000
_HV0 = 50176
_HV1 = _V - _HV0
_NUM_CORES = 2
_NUM_SUBCORES = 16
_NW = _NUM_CORES * _NUM_SUBCORES
_D_BETAS = 10
_D_ORIENT = 3
_D_TRANSL = 3
_D_POSE = 69
_U_ORIENT = _D_POSE
_U_TRANSL = _U_ORIENT + _D_ORIENT
_U_BETAS = _U_TRANSL + _D_TRANSL
_N_UNITS = _U_BETAS + _D_BETAS


def _lookup_body(ids_hbm, betas_hbm, orient_hbm, transl_hbm, pose_hbm,
                 betas_out, orient_out, transl_out, pose_out,
                 idx_v, lo_idx, lo_pos, hi_idx, hi_pos,
                 row_a, row_b, out_a, out_b, bet_v, sem_a, sem_b, sem_o):
    cid = lax.axis_index("c")
    sid = lax.axis_index("s")
    iota = lax.iota(jnp.int32, 16)

    u0 = cid * _NUM_SUBCORES + sid
    u1 = u0 + _NW
    u2 = 2 * _NW + sid * _NUM_CORES + (1 - cid)

    pltpu.sync_copy(ids_hbm, idx_v)

    cp_a = pltpu.async_copy(pose_hbm.at[u0].at[pl.ds(0, _HV0)], row_a, sem_a)
    cp_b = pltpu.async_copy(pose_hbm.at[u0].at[pl.ds(_HV0, _HV1)], row_b, sem_b)

    def part(k, c):
        nlo, nhi = c
        v = idx_v[pl.ds(k * 16, 16)]
        pos = iota + k * 16
        mlo = v < _HV0
        plsc.store_compressed(lo_idx.at[pl.ds(nlo, 16)], v, mask=mlo)
        plsc.store_compressed(lo_pos.at[pl.ds(nlo, 16)], pos, mask=mlo)
        mhi = jnp.logical_not(mlo)
        plsc.store_compressed(hi_idx.at[pl.ds(nhi, 16)], v - _HV0, mask=mhi)
        plsc.store_compressed(hi_pos.at[pl.ds(nhi, 16)], pos, mask=mhi)
        cnt = jnp.sum(mlo.astype(jnp.int32), axis=0)
        return nlo + cnt, nhi + (16 - cnt)

    n_lo, n_hi = lax.fori_loop(0, _B // 16, part, (0, 0))

    pltpu.sync_copy(betas_hbm.at[0], bet_v)

    def gather_half(row_buf, list_idx, list_pos, n, out_v):
        nspl = jnp.full((16,), n, jnp.int32)

        def gath(k, c):
            base = k * 16
            valid = (iota + base) < nspl
            lidx = list_idx[pl.ds(base, 16)]
            vals = plsc.load_gather(row_buf, [lidx], mask=valid)
            pos = list_pos[pl.ds(base, 16)]
            plsc.store_scatter(out_v, [pos], vals, mask=valid)
            return c

        lax.fori_loop(0, (n + 15) // 16, gath, 0)

    def wait_row(buf, sem, nwords):
        off = 0 if nwords == _HV0 else _HV0
        pltpu.make_async_copy(
            pose_hbm.at[0].at[pl.ds(off, nwords)], buf, sem).wait()

    def fire_lo(u):
        @pl.when(u < _U_ORIENT)
        def _():
            pltpu.async_copy(pose_hbm.at[u].at[pl.ds(0, _HV0)], row_a, sem_a)

        @pl.when((u >= _U_ORIENT) & (u < _U_TRANSL))
        def _():
            pltpu.async_copy(
                orient_hbm.at[u - _U_ORIENT].at[pl.ds(0, _HV0)], row_a, sem_a)

        @pl.when((u >= _U_TRANSL) & (u < _U_BETAS))
        def _():
            pltpu.async_copy(
                transl_hbm.at[u - _U_TRANSL].at[pl.ds(0, _HV0)], row_a, sem_a)

    def fire_hi(u):
        @pl.when(u < _U_ORIENT)
        def _():
            pltpu.async_copy(
                pose_hbm.at[u].at[pl.ds(_HV0, _HV1)], row_b, sem_b)

        @pl.when((u >= _U_ORIENT) & (u < _U_TRANSL))
        def _():
            pltpu.async_copy(
                orient_hbm.at[u - _U_ORIENT].at[pl.ds(_HV0, _HV1)], row_b,
                sem_b)

        @pl.when((u >= _U_TRANSL) & (u < _U_BETAS))
        def _():
            pltpu.async_copy(
                transl_hbm.at[u - _U_TRANSL].at[pl.ds(_HV0, _HV1)], row_b,
                sem_b)

    cp_a.wait()
    gather_half(row_a, lo_idx, lo_pos, n_lo, out_a)
    pltpu.async_copy(pose_hbm.at[u1].at[pl.ds(0, _HV0)], row_a, sem_a)
    cp_b.wait()
    gather_half(row_b, hi_idx, hi_pos, n_hi, out_a)
    pltpu.async_copy(pose_hbm.at[u1].at[pl.ds(_HV0, _HV1)], row_b, sem_b)
    cp_o0 = pltpu.async_copy(out_a, pose_out.at[u0], sem_o)

    wait_row(row_a, sem_a, _HV0)
    gather_half(row_a, lo_idx, lo_pos, n_lo, out_b)
    fire_lo(u2)
    wait_row(row_b, sem_b, _HV1)
    gather_half(row_b, hi_idx, hi_pos, n_hi, out_b)
    fire_hi(u2)
    cp_o0.wait()
    cp_o1 = pltpu.async_copy(out_b, pose_out.at[u1], sem_o)

    def finish_unit(dst_row):
        wait_row(row_a, sem_a, _HV0)
        gather_half(row_a, lo_idx, lo_pos, n_lo, out_a)
        wait_row(row_b, sem_b, _HV1)
        gather_half(row_b, hi_idx, hi_pos, n_hi, out_a)
        pltpu.sync_copy(out_a, dst_row)
    cp_o1.wait()

    @pl.when(u2 < _U_ORIENT)
    def _():
        finish_unit(pose_out.at[u2])

    @pl.when((u2 >= _U_ORIENT) & (u2 < _U_TRANSL))
    def _():
        finish_unit(orient_out.at[u2 - _U_ORIENT])

    @pl.when((u2 >= _U_TRANSL) & (u2 < _U_BETAS))
    def _():
        finish_unit(transl_out.at[u2 - _U_TRANSL])

    @pl.when((u2 >= _U_BETAS) & (u2 < _N_UNITS))
    def _():
        j = u2 - _U_BETAS
        vals = plsc.load_gather(bet_v, [jnp.full((16,), j, jnp.int32)])

        def splat(k, c):
            for s in range(8):
                out_a[pl.ds(k * 128 + s * 16, 16)] = vals
            return c

        lax.fori_loop(0, _B // 128, splat, 0)
        pltpu.sync_copy(out_a, betas_out.at[j])


@jax.jit
def kernel(frame_ids, betas_w, global_orient_w, transl_w, body_pose_w):
    mesh = plsc.VectorSubcoreMesh(
        core_axis_name="c", subcore_axis_name="s",
        num_cores=_NUM_CORES, num_subcores=_NUM_SUBCORES)
    run = pl.kernel(
        _lookup_body,
        out_type=(
            jax.ShapeDtypeStruct((_D_BETAS, _B), jnp.float32),
            jax.ShapeDtypeStruct((_D_ORIENT, _B), jnp.float32),
            jax.ShapeDtypeStruct((_D_TRANSL, _B), jnp.float32),
            jax.ShapeDtypeStruct((_D_POSE, _B), jnp.float32),
        ),
        mesh=mesh,
        compiler_params=pltpu.CompilerParams(
            use_tc_tiling_on_sc=True, needs_layout_passes=False),
        scratch_types=[
            pltpu.VMEM((_B,), jnp.int32),
            pltpu.VMEM((_B + 16,), jnp.int32),
            pltpu.VMEM((_B + 16,), jnp.int32),
            pltpu.VMEM((_B + 16,), jnp.int32),
            pltpu.VMEM((_B + 16,), jnp.int32),
            pltpu.VMEM((_HV0,), jnp.float32),
            pltpu.VMEM((_HV1,), jnp.float32),
            pltpu.VMEM((_B,), jnp.float32),
            pltpu.VMEM((_B,), jnp.float32),
            pltpu.VMEM((10,), jnp.float32),
            pltpu.SemaphoreType.DMA,
            pltpu.SemaphoreType.DMA,
            pltpu.SemaphoreType.DMA,
        ],
    )
    betas_t, orient_t, transl_t, pose_t = run(
        frame_ids.astype(jnp.int32), betas_w,
        jnp.swapaxes(global_orient_w, 0, 1),
        jnp.swapaxes(transl_w, 0, 1),
        jnp.swapaxes(body_pose_w, 0, 1))
    return (jnp.swapaxes(betas_t, 0, 1), jnp.swapaxes(orient_t, 0, 1),
            jnp.swapaxes(transl_t, 0, 1), jnp.swapaxes(pose_t, 0, 1))

# --- scband reference (transcript-rebuilt; emitter-appended) ---
"""Pipeline reference for scband-body-model-params-51908974739816 (READ-ONLY COPY).

The authoritative reference and input builder live on the scoring server;
editing this copy changes nothing except your own understanding.
"""

import jax, jax.numpy as jnp
import numpy as np

NUM_FRAMES = 100000
B = 4096

def setup_inputs(seed: int = 0) -> dict:
    key = jax.random.key(seed)
    k1, k2, k3, k4, k5 = jax.random.split(key, 5)
    frame_ids = jax.random.randint(k1, (B,), 0, NUM_FRAMES)
    # Learned embedding tables (torch fills with 0; random here so outputs are nontrivial)
    betas_w = jax.random.normal(k2, (1, 10), dtype=jnp.float32) * 0.02
    global_orient_w = jax.random.normal(k3, (NUM_FRAMES, 3), dtype=jnp.float32) * 0.02
    transl_w = jax.random.normal(k4, (NUM_FRAMES, 3), dtype=jnp.float32) * 0.02
    body_pose_w = jax.random.normal(k5, (NUM_FRAMES, 69), dtype=jnp.float32) * 0.02
    return {"frame_ids": frame_ids, "betas_w": betas_w, "global_orient_w": global_orient_w, "transl_w": transl_w, "body_pose_w": body_pose_w}

def reference(frame_ids, betas_w, global_orient_w, transl_w, body_pose_w):
    # betas is looked up with all-zero indices (single shared row)
    zero_ids = jnp.zeros_like(frame_ids)
    betas = jnp.take(betas_w, zero_ids, axis=0)
    global_orient = jnp.take(global_orient_w, frame_ids, axis=0)
    transl = jnp.take(transl_w, frame_ids, axis=0)
    body_pose = jnp.take(body_pose_w, frame_ids, axis=0)
    return (betas, global_orient, transl, body_pose)

if __name__ == "__main__":
    import jax
    _d = setup_inputs()
    print(jax.jit(kernel)(*tuple(_d.values())))

</pallas_src>

<mosaic_0001>
#map = affine_map<(d0, d1) -> (0)>
#map1 = affine_map<(d0, d1) -> (0, 0)>
module attributes {stable_mosaic.version = 14 : i64} {
  func.func @_lookup_body(%arg0: i32, %arg1: i32, %arg2: memref<4096xi32, #tpu.memory_space<hbm>>, %arg3: memref<1x10xf32, #tpu.memory_space<hbm>>, %arg4: memref<3x100000xf32, #tpu.memory_space<hbm>>, %arg5: memref<3x100000xf32, #tpu.memory_space<hbm>>, %arg6: memref<69x100000xf32, #tpu.memory_space<hbm>>, %arg7: memref<10x4096xf32, #tpu.memory_space<hbm>>, %arg8: memref<3x4096xf32, #tpu.memory_space<hbm>>, %arg9: memref<3x4096xf32, #tpu.memory_space<hbm>>, %arg10: memref<69x4096xf32, #tpu.memory_space<hbm>>, %arg11: memref<4096xi32, #tpu.memory_space<vmem>>, %arg12: memref<4112xi32, #tpu.memory_space<vmem>>, %arg13: memref<4112xi32, #tpu.memory_space<vmem>>, %arg14: memref<4112xi32, #tpu.memory_space<vmem>>, %arg15: memref<4112xi32, #tpu.memory_space<vmem>>, %arg16: memref<50176xf32, #tpu.memory_space<vmem>>, %arg17: memref<49824xf32, #tpu.memory_space<vmem>>, %arg18: memref<4096xf32, #tpu.memory_space<vmem>>, %arg19: memref<4096xf32, #tpu.memory_space<vmem>>, %arg20: memref<10xf32, #tpu.memory_space<vmem>>, %arg21: memref<!tpu.dma_semaphore, #tpu.memory_space<semaphore_mem>>, %arg22: memref<!tpu.dma_semaphore, #tpu.memory_space<semaphore_mem>>, %arg23: memref<!tpu.dma_semaphore, #tpu.memory_space<semaphore_mem>>) attributes {dimension_semantics = [#tpu.dimension_semantics<core_parallel>, #tpu.dimension_semantics<subcore_parallel>], iteration_bounds = array<i64: 2, 16>, scalar_prefetch = 0 : i64, scratch_operands = 13 : i64, tpu.core_type = #tpu.core_type<sc_vector_subcore>, window_params = [{transform_indices = #map}, {transform_indices = #map1}, {transform_indices = #map1}, {transform_indices = #map1}, {transform_indices = #map1}, {transform_indices = #map1}, {transform_indices = #map1}, {transform_indices = #map1}, {transform_indices = #map1}]} {
    %iota3A = tpu.iota {dimensions = array<i32: 0>} : vector<16xi32>
    %mul3A = arith.constant 16 : i32
    %mul3A_0 = arith.muli %arg0, %mul3A : i32
    %add3A = arith.addi %mul3A_0, %arg1 : i32
    %add3A_1 = arith.constant 32 : i32
    %add3A_2 = arith.addi %add3A, %add3A_1 : i32
    %mul3A_3 = arith.constant 2 : i32
    %mul3A_4 = arith.muli %arg1, %mul3A_3 : i32
    %add3A_5 = arith.constant 64 : i32
    %add3A_6 = arith.addi %add3A_5, %mul3A_4 : i32
    %sub3A = arith.constant 1 : i32
    %sub3A_7 = arith.subi %sub3A, %arg0 : i32
    %add3A_8 = arith.addi %add3A_6, %sub3A_7 : i32
    "tpu.region"() ({
      %run_scoped3A_326 = tpu.sem_alloc : memref<!tpu.dma_semaphore, #tpu.memory_space<semaphore_mem>>
      tpu.enqueue_dma source(%arg2 : memref<4096xi32, #tpu.memory_space<hbm>>) target(%arg11 : memref<4096xi32, #tpu.memory_space<vmem>>) target_semaphore(%run_scoped3A_326 : memref<!tpu.dma_semaphore, #tpu.memory_space<semaphore_mem>>)
      tpu.wait_dma2 semaphore(%run_scoped3A_326 : memref<!tpu.dma_semaphore, #tpu.memory_space<semaphore_mem>>) src(%arg2 : memref<4096xi32, #tpu.memory_space<hbm>>) dst(%arg11 : memref<4096xi32, #tpu.memory_space<vmem>>)
      tpu.yield
    }) : () -> ()
    %dma_start3A = arith.constant 0 : i32
    %dma_start3A_9 = tpu.memref_slice %arg6[%add3A, %dma_start3A] : memref<69x100000xf32, #tpu.memory_space<hbm>> -> memref<1x100000xf32, #tpu.memory_space<hbm>>
    %dma_start3A_10 = tpu.memref_squeeze %dma_start3A_9 : memref<1x100000xf32, #tpu.memory_space<hbm>> -> memref<100000xf32, #tpu.memory_space<hbm>>
    %dma_start3A_11 = arith.constant 0 : i32
    %dma_start3A_12 = tpu.memref_slice %dma_start3A_10[%dma_start3A_11] : memref<100000xf32, #tpu.memory_space<hbm>> -> memref<50176xf32, #tpu.memory_space<hbm>>
    %dma_start3A_13 = arith.constant 0 : i32
    %dma_start3A_14 = tpu.memref_slice %arg6[%add3A, %dma_start3A_13] : memref<69x100000xf32, #tpu.memory_space<hbm>> -> memref<1x100000xf32, #tpu.memory_space<hbm>>
    %dma_start3A_15 = tpu.memref_squeeze %dma_start3A_14 : memref<1x100000xf32, #tpu.memory_space<hbm>> -> memref<100000xf32, #tpu.memory_space<hbm>>
    %dma_start3A_16 = arith.constant 0 : i32
    %dma_start3A_17 = tpu.memref_slice %dma_start3A_15[%dma_start3A_16] : memref<100000xf32, #tpu.memory_space<hbm>> -> memref<50176xf32, #tpu.memory_space<hbm>>
    tpu.enqueue_dma source(%dma_start3A_17 : memref<50176xf32, #tpu.memory_space<hbm>>) target(%arg16 : memref<50176xf32, #tpu.memory_space<vmem>>) target_semaphore(%arg21 : memref<!tpu.dma_semaphore, #tpu.memory_space<semaphore_mem>>)
    %dma_start3A_18 = arith.constant 0 : i32
    %dma_start3A_19 = tpu.memref_slice %arg6[%add3A, %dma_start3A_18] : memref<69x100000xf32, #tpu.memory_space<hbm>> -> memref<1x100000xf32, #tpu.memory_space<hbm>>
    %dma_start3A_20 = tpu.memref_squeeze %dma_start3A_19 : memref<1x100000xf32, #tpu.memory_space<hbm>> -> memref<100000xf32, #tpu.memory_space<hbm>>
    %dma_start3A_21 = arith.constant 50176 : i32
    %dma_start3A_22 = tpu.memref_slice %dma_start3A_20[%dma_start3A_21] : memref<100000xf32, #tpu.memory_space<hbm>> -> memref<49824xf32, #tpu.memory_space<hbm>>
    %dma_start3A_23 = arith.constant 0 : i32
    %dma_start3A_24 = tpu.memref_slice %arg6[%add3A, %dma_start3A_23] : memref<69x100000xf32, #tpu.memory_space<hbm>> -> memref<1x100000xf32, #tpu.memory_space<hbm>>
    %dma_start3A_25 = tpu.memref_squeeze %dma_start3A_24 : memref<1x100000xf32, #tpu.memory_space<hbm>> -> memref<100000xf32, #tpu.memory_space<hbm>>
    %dma_start3A_26 = arith.constant 50176 : i32
    %dma_start3A_27 = tpu.memref_slice %dma_start3A_25[%dma_start3A_26] : memref<100000xf32, #tpu.memory_space<hbm>> -> memref<49824xf32, #tpu.memory_space<hbm>>
    tpu.enqueue_dma source(%dma_start3A_27 : memref<49824xf32, #tpu.memory_space<hbm>>) target(%arg17 : memref<49824xf32, #tpu.memory_space<vmem>>) target_semaphore(%arg22 : memref<!tpu.dma_semaphore, #tpu.memory_space<semaphore_mem>>)
    %scan3A = arith.constant 0 : i32
    %scan3A_28 = arith.constant 0 : i32
    %scan3A_29 = arith.constant 0 : i32
    %scan3A_30 = arith.constant 256 : i32
    %scan3A_31 = arith.addi %scan3A_29, %scan3A_30 : i32
    %scan3A_32 = arith.constant 1 : i32
    %scan3A_33:2 = scf.for %scan3A_326 = %scan3A_29 to %scan3A_31 step %scan3A_32 iter_args(%scan3A_327 = %scan3A, %scan3A_328 = %scan3A_28) -> (i32, i32)  : i32 {
      %mul3A_329 = arith.constant 16 : i32
      %mul3A_330 = arith.muli %scan3A_326, %mul3A_329 : i32
      %get3A = arith.index_cast %mul3A_330 : i32 to index
      %get3A_331 = tpu.vector_load %arg11[%get3A] {strides = array<i32>} : memref<4096xi32, #tpu.memory_space<vmem>>, vector<16xi32>,
      %mul3A_332 = arith.constant 16 : i32
      %mul3A_333 = arith.muli %scan3A_326, %mul3A_332 : i32
      %add3A_334 = vector.broadcast %mul3A_333 : i32 to vector<16xi32>
      %add3A_335 = arith.addi %iota3A, %add3A_334 : vector<16xi32>
      %lt3A_336 = arith.constant 50176 : i32
      %lt3A_337 = vector.broadcast %lt3A_336 : i32 to vector<16xi32>
      %lt3A_338 = arith.cmpi slt, %get3A_331, %lt3A_337 : vector<16xi32>
      %swap3A = arith.index_cast %scan3A_327 : i32 to index
      %swap3A_339 = tpu.vector_load %arg12[%swap3A] masked %lt3A_338 {strides = array<i32>} : memref<4112xi32, #tpu.memory_space<vmem>>, vector<16xi32>, vector<16xi1>
      tpu.vector_store %arg12[%swap3A], %get3A_331 masked %lt3A_338 {strides = array<i32>} : memref<4112xi32, #tpu.memory_space<vmem>>, vector<16xi32>, vector<16xi1>
      %swap3A_340 = arith.index_cast %scan3A_327 : i32 to index
      %swap3A_341 = tpu.vector_load %arg13[%swap3A_340] masked %lt3A_338 {strides = array<i32>} : memref<4112xi32, #tpu.memory_space<vmem>>, vector<16xi32>, vector<16xi1>
      tpu.vector_store %arg13[%swap3A_340], %add3A_335 masked %lt3A_338 {strides = array<i32>} : memref<4112xi32, #tpu.memory_space<vmem>>, vector<16xi32>, vector<16xi1>
      %not3A = arith.constant dense<true> : vector<16xi1>
      %not3A_342 = arith.xori %lt3A_338, %not3A : vector<16xi1>
      %sub3A_343 = arith.constant 50176 : i32
      %sub3A_344 = vector.broadcast %sub3A_343 : i32 to vector<16xi32>
      %sub3A_345 = arith.subi %get3A_331, %sub3A_344 : vector<16xi32>
      %swap3A_346 = arith.index_cast %scan3A_328 : i32 to index
      %swap3A_347 = tpu.vector_load %arg14[%swap3A_346] masked %not3A_342 {strides = array<i32>} : memref<4112xi32, #tpu.memory_space<vmem>>, vector<16xi32>, vector<16xi1>
      tpu.vector_store %arg14[%swap3A_346], %sub3A_345 masked %not3A_342 {strides = array<i32>} : memref<4112xi32, #tpu.memory_space<vmem>>, vector<16xi32>, vector<16xi1>
      %swap3A_348 = arith.index_cast %scan3A_328 : i32 to index
      %swap3A_349 = tpu.vector_load %arg15[%swap3A_348] masked %not3A_342 {strides = array<i32>} : memref<4112xi32, #tpu.memory_space<vmem>>, vector<16xi32>, vector<16xi1>
      tpu.vector_store %arg15[%swap3A_348], %add3A_335 masked %not3A_342 {strides = array<i32>} : memref<4112xi32, #tpu.memory_space<vmem>>, vector<16xi32>, vector<16xi1>
      %convert_element_type3A_350 = arith.extui %lt3A_338 : vector<16xi1> to vector<16xi32>
      %reduce_sum3A = arith.constant true
      %reduce_sum3A_351 = vector.broadcast %reduce_sum3A : i1 to vector<16xi1>
      %reduce_sum3A_352 = tpu.scan <sum>, %convert_element_type3A_350 masked %reduce_sum3A_351 : vector<16xi32>, vector<16xi1> -> vector<16xi32>
      %reduce_sum3A_353 = vector.extract %reduce_sum3A_352[15] : i32 from vector<16xi32>
      %add3A_354 = arith.addi %scan3A_327, %reduce_sum3A_353 : i32
      %sub3A_355 = arith.constant 16 : i32
      %sub3A_356 = arith.subi %sub3A_355, %reduce_sum3A_353 : i32
      %add3A_357 = arith.addi %scan3A_328, %sub3A_356 : i32
      scf.yield %add3A_354, %add3A_357 : i32, i32
    }
    %scan3A_34 = arith.constant 256 : i32
    %run_scoped3A = arith.constant 0 : i32
    "tpu.region"() ({
      %run_scoped3A_326 = tpu.sem_alloc : memref<!tpu.dma_semaphore, #tpu.memory_space<semaphore_mem>>
      %dma_start3A_327 = arith.constant 0 : i32
      %dma_start3A_328 = tpu.memref_slice %arg3[%run_scoped3A, %dma_start3A_327] : memref<1x10xf32, #tpu.memory_space<hbm>> -> memref<1x10xf32, #tpu.memory_space<hbm>>
      %dma_start3A_329 = tpu.memref_squeeze %dma_start3A_328 : memref<1x10xf32, #tpu.memory_space<hbm>> -> memref<10xf32, #tpu.memory_space<hbm>>
      %dma_start3A_330 = arith.constant 0 : i32
      %dma_start3A_331 = tpu.memref_slice %arg3[%run_scoped3A, %dma_start3A_330] : memref<1x10xf32, #tpu.memory_space<hbm>> -> memref<1x10xf32, #tpu.memory_space<hbm>>
      %dma_start3A_332 = tpu.memref_squeeze %dma_start3A_331 : memref<1x10xf32, #tpu.memory_space<hbm>> -> memref<10xf32, #tpu.memory_space<hbm>>
      tpu.enqueue_dma source(%dma_start3A_332 : memref<10xf32, #tpu.memory_space<hbm>>) target(%arg20 : memref<10xf32, #tpu.memory_space<vmem>>) target_semaphore(%run_scoped3A_326 : memref<!tpu.dma_semaphore, #tpu.memory_space<semaphore_mem>>)
      %dma_wait3A_333 = arith.constant 0 : i32
      %dma_wait3A_334 = tpu.memref_slice %arg3[%run_scoped3A, %dma_wait3A_333] : memref<1x10xf32, #tpu.memory_space<hbm>> -> memref<1x10xf32, #tpu.memory_space<hbm>>
      %dma_wait3A_335 = tpu.memref_squeeze %dma_wait3A_334 : memref<1x10xf32, #tpu.memory_space<hbm>> -> memref<10xf32, #tpu.memory_space<hbm>>
      %dma_wait3A_336 = arith.constant 0 : i32
      %dma_wait3A_337 = tpu.memref_slice %arg3[%run_scoped3A, %dma_wait3A_336] : memref<1x10xf32, #tpu.memory_space<hbm>> -> memref<1x10xf32, #tpu.memory_space<hbm>>
      %dma_wait3A_338 = tpu.memref_squeeze %dma_wait3A_337 : memref<1x10xf32, #tpu.memory_space<hbm>> -> memref<10xf32, #tpu.memory_space<hbm>>
      tpu.wait_dma2 semaphore(%run_scoped3A_326 : memref<!tpu.dma_semaphore, #tpu.memory_space<semaphore_mem>>) src(%dma_wait3A_338 : memref<10xf32, #tpu.memory_space<hbm>>) dst(%arg20 : memref<10xf32, #tpu.memory_space<vmem>>)
      tpu.yield
    }) : () -> ()
    %dma_wait3A = arith.constant 0 : i32
    %dma_wait3A_35 = tpu.memref_slice %arg6[%add3A, %dma_wait3A] : memref<69x100000xf32, #tpu.memory_space<hbm>> -> memref<1x100000xf32, #tpu.memory_space<hbm>>
    %dma_wait3A_36 = tpu.memref_squeeze %dma_wait3A_35 : memref<1x100000xf32, #tpu.memory_space<hbm>> -> memref<100000xf32, #tpu.memory_space<hbm>>
    %dma_wait3A_37 = arith.constant 0 : i32
    %dma_wait3A_38 = tpu.memref_slice %dma_wait3A_36[%dma_wait3A_37] : memref<100000xf32, #tpu.memory_space<hbm>> -> memref<50176xf32, #tpu.memory_space<hbm>>
    %dma_wait3A_39 = arith.constant 0 : i32
    %dma_wait3A_40 = tpu.memref_slice %arg6[%add3A, %dma_wait3A_39] : memref<69x100000xf32, #tpu.memory_space<hbm>> -> memref<1x100000xf32, #tpu.memory_space<hbm>>
    %dma_wait3A_41 = tpu.memref_squeeze %dma_wait3A_40 : memref<1x100000xf32, #tpu.memory_space<hbm>> -> memref<100000xf32, #tpu.memory_space<hbm>>
    %dma_wait3A_42 = arith.constant 0 : i32
    %dma_wait3A_43 = tpu.memref_slice %dma_wait3A_41[%dma_wait3A_42] : memref<100000xf32, #tpu.memory_space<hbm>> -> memref<50176xf32, #tpu.memory_space<hbm>>
    tpu.wait_dma2 semaphore(%arg21 : memref<!tpu.dma_semaphore, #tpu.memory_space<semaphore_mem>>) src(%dma_wait3A_43 : memref<50176xf32, #tpu.memory_space<hbm>>) dst(%arg16 : memref<50176xf32, #tpu.memory_space<vmem>>)
    %broadcast_in_dim3A = vector.broadcast %scan3A_33#0 : i32 to vector<16xi32>
    %add3A_44 = arith.constant 15 : i32
    %add3A_45 = arith.addi %scan3A_33#0, %add3A_44 : i32
    %jit3A = arith.constant 16 : i32
    %div3A = arith.divsi %add3A_45, %jit3A : i32
    %sign3A = arith.constant 0 : i32
    %sign3A_46 = arith.cmpi sgt, %add3A_45, %sign3A : i32
    %sign3A_47 = arith.extui %sign3A_46 : i1 to i32
    %sign3A_48 = arith.constant 0 : i32
    %sign3A_49 = arith.cmpi slt, %add3A_45, %sign3A_48 : i32
    %sign3A_50 = arith.extui %sign3A_49 : i1 to i32
    %sign3A_51 = arith.subi %sign3A_47, %sign3A_50 : i32
    %sign3A_52 = arith.constant 0 : i32
    %sign3A_53 = arith.cmpi sgt, %jit3A, %sign3A_52 : i32
    %sign3A_54 = arith.extui %sign3A_53 : i1 to i32
    %sign3A_55 = arith.constant 0 : i32
    %sign3A_56 = arith.cmpi slt, %jit3A, %sign3A_55 : i32
    %sign3A_57 = arith.extui %sign3A_56 : i1 to i32
    %sign3A_58 = arith.subi %sign3A_54, %sign3A_57 : i32
    %ne3A = arith.cmpi ne, %sign3A_51, %sign3A_58 : i32
    %rem3A = arith.remsi %add3A_45, %jit3A : i32
    %ne3A_59 = arith.constant 0 : i32
    %ne3A_60 = arith.cmpi ne, %rem3A, %ne3A_59 : i32
    %and3A = arith.andi %ne3A, %ne3A_60 : i1
    %sub3A_61 = arith.constant 1 : i32
    %sub3A_62 = arith.subi %div3A, %sub3A_61 : i32
    %select_n3A = arith.select %and3A, %sub3A_62, %div3A : i32
    %while3A = arith.constant 0 : i32
    %while3A_63 = arith.constant 0 : i32
    %while3A_64 = arith.subi %select_n3A, %while3A_63 : i32
    %while3A_65 = arith.addi %while3A_63, %while3A_64 : i32
    %while3A_66 = arith.constant 1 : i32
    %while3A_67 = arith.divsi %while3A_64, %while3A_66 : i32
    %while3A_68 = arith.muli %while3A_67, %while3A_66 : i32
    %while3A_69 = arith.addi %while3A_63, %while3A_68 : i32
    %while3A_70 = arith.constant 1 : i32
    scf.for %while3A_326 = %while3A_63 to %while3A_69 step %while3A_70  : i32 {
      %mul3A_327 = arith.constant 16 : i32
      %mul3A_328 = arith.muli %while3A_326, %mul3A_327 : i32
      %add3A_329 = vector.broadcast %mul3A_328 : i32 to vector<16xi32>
      %add3A_330 = arith.addi %iota3A, %add3A_329 : vector<16xi32>
      %lt3A_331 = arith.cmpi slt, %add3A_330, %broadcast_in_dim3A : vector<16xi32>
      %get3A = arith.index_cast %mul3A_328 : i32 to index
      %get3A_332 = tpu.vector_load %arg12[%get3A] {strides = array<i32>} : memref<4112xi32, #tpu.memory_space<vmem>>, vector<16xi32>,
      %gather3A = tpu.vector_load_idx %arg16[%get3A_332] masked %lt3A_331 : memref<50176xf32, #tpu.memory_space<vmem>>[vector<16xi32>], vector<16xf32>, vector<16xi1>
      %get3A_333 = arith.index_cast %mul3A_328 : i32 to index
      %get3A_334 = tpu.vector_load %arg13[%get3A_333] {strides = array<i32>} : memref<4112xi32, #tpu.memory_space<vmem>>, vector<16xi32>,
      tpu.vector_store_idx %arg18[%get3A_334], %gather3A masked %lt3A_331 : memref<4096xf32, #tpu.memory_space<vmem>>[vector<16xi32>], vector<16xf32>, vector<16xi1>
    }
    %while3A_71 = arith.constant 1 : i32
    scf.for %while3A_326 = %while3A_69 to %while3A_65 step %while3A_71  : i32 {
      %mul3A_327 = arith.constant 16 : i32
      %mul3A_328 = arith.muli %while3A_326, %mul3A_327 : i32
      %add3A_329 = vector.broadcast %mul3A_328 : i32 to vector<16xi32>
      %add3A_330 = arith.addi %iota3A, %add3A_329 : vector<16xi32>
      %lt3A_331 = arith.cmpi slt, %add3A_330, %broadcast_in_dim3A : vector<16xi32>
      %get3A = arith.index_cast %mul3A_328 : i32 to index
      %get3A_332 = tpu.vector_load %arg12[%get3A] {strides = array<i32>} : memref<4112xi32, #tpu.memory_space<vmem>>, vector<16xi32>,
      %gather3A = tpu.vector_load_idx %arg16[%get3A_332] masked %lt3A_331 : memref<50176xf32, #tpu.memory_space<vmem>>[vector<16xi32>], vector<16xf32>, vector<16xi1>
      %get3A_333 = arith.index_cast %mul3A_328 : i32 to index
      %get3A_334 = tpu.vector_load %arg13[%get3A_333] {strides = array<i32>} : memref<4112xi32, #tpu.memory_space<vmem>>, vector<16xi32>,
      tpu.vector_store_idx %arg18[%get3A_334], %gather3A masked %lt3A_331 : memref<4096xf32, #tpu.memory_space<vmem>>[vector<16xi32>], vector<16xf32>, vector<16xi1>
    }
    %dma_start3A_72 = arith.constant 0 : i32
    %dma_start3A_73 = tpu.memref_slice %arg6[%add3A_2, %dma_start3A_72] : memref<69x100000xf32, #tpu.memory_space<hbm>> -> memref<1x100000xf32, #tpu.memory_space<hbm>>
    %dma_start3A_74 = tpu.memref_squeeze %dma_start3A_73 : memref<1x100000xf32, #tpu.memory_space<hbm>> -> memref<100000xf32, #tpu.memory_space<hbm>>
    %dma_start3A_75 = arith.constant 0 : i32
    %dma_start3A_76 = tpu.memref_slice %dma_start3A_74[%dma_start3A_75] : memref<100000xf32, #tpu.memory_space<hbm>> -> memref<50176xf32, #tpu.memory_space<hbm>>
    %dma_start3A_77 = arith.constant 0 : i32
    %dma_start3A_78 = tpu.memref_slice %arg6[%add3A_2, %dma_start3A_77] : memref<69x100000xf32, #tpu.memory_space<hbm>> -> memref<1x100000xf32, #tpu.memory_space<hbm>>
    %dma_start3A_79 = tpu.memref_squeeze %dma_start3A_78 : memref<1x100000xf32, #tpu.memory_space<hbm>> -> memref<100000xf32, #tpu.memory_space<hbm>>
    %dma_start3A_80 = arith.constant 0 : i32
    %dma_start3A_81 = tpu.memref_slice %dma_start3A_79[%dma_start3A_80] : memref<100000xf32, #tpu.memory_space<hbm>> -> memref<50176xf32, #tpu.memory_space<hbm>>
    tpu.enqueue_dma source(%dma_start3A_81 : memref<50176xf32, #tpu.memory_space<hbm>>) target(%arg16 : memref<50176xf32, #tpu.memory_space<vmem>>) target_semaphore(%arg21 : memref<!tpu.dma_semaphore, #tpu.memory_space<semaphore_mem>>)
    %dma_wait3A_82 = arith.constant 0 : i32
    %dma_wait3A_83 = tpu.memref_slice %arg6[%add3A, %dma_wait3A_82] : memref<69x100000xf32, #tpu.memory_space<hbm>> -> memref<1x100000xf32, #tpu.memory_space<hbm>>
    %dma_wait3A_84 = tpu.memref_squeeze %dma_wait3A_83 : memref<1x100000xf32, #tpu.memory_space<hbm>> -> memref<100000xf32, #tpu.memory_space<hbm>>
    %dma_wait3A_85 = arith.constant 50176 : i32
    %dma_wait3A_86 = tpu.memref_slice %dma_wait3A_84[%dma_wait3A_85] : memref<100000xf32, #tpu.memory_space<hbm>> -> memref<49824xf32, #tpu.memory_space<hbm>>
    %dma_wait3A_87 = arith.constant 0 : i32
    %dma_wait3A_88 = tpu.memref_slice %arg6[%add3A, %dma_wait3A_87] : memref<69x100000xf32, #tpu.memory_space<hbm>> -> memref<1x100000xf32, #tpu.memory_space<hbm>>
    %dma_wait3A_89 = tpu.memref_squeeze %dma_wait3A_88 : memref<1x100000xf32, #tpu.memory_space<hbm>> -> memref<100000xf32, #tpu.memory_space<hbm>>
    %dma_wait3A_90 = arith.constant 50176 : i32
    %dma_wait3A_91 = tpu.memref_slice %dma_wait3A_89[%dma_wait3A_90] : memref<100000xf32, #tpu.memory_space<hbm>> -> memref<49824xf32, #tpu.memory_space<hbm>>
    tpu.wait_dma2 semaphore(%arg22 : memref<!tpu.dma_semaphore, #tpu.memory_space<semaphore_mem>>) src(%dma_wait3A_91 : memref<49824xf32, #tpu.memory_space<hbm>>) dst(%arg17 : memref<49824xf32, #tpu.memory_space<vmem>>)
    %broadcast_in_dim3A_92 = vector.broadcast %scan3A_33#1 : i32 to vector<16xi32>
    %add3A_93 = arith.constant 15 : i32
    %add3A_94 = arith.addi %scan3A_33#1, %add3A_93 : i32
    %jit3A_95 = arith.constant 16 : i32
    %div3A_96 = arith.divsi %add3A_94, %jit3A_95 : i32
    %sign3A_97 = arith.constant 0 : i32
    %sign3A_98 = arith.cmpi sgt, %add3A_94, %sign3A_97 : i32
    %sign3A_99 = arith.extui %sign3A_98 : i1 to i32
    %sign3A_100 = arith.constant 0 : i32
    %sign3A_101 = arith.cmpi slt, %add3A_94, %sign3A_100 : i32
    %sign3A_102 = arith.extui %sign3A_101 : i1 to i32
    %sign3A_103 = arith.subi %sign3A_99, %sign3A_102 : i32
    %sign3A_104 = arith.constant 0 : i32
    %sign3A_105 = arith.cmpi sgt, %jit3A_95, %sign3A_104 : i32
    %sign3A_106 = arith.extui %sign3A_105 : i1 to i32
    %sign3A_107 = arith.constant 0 : i32
    %sign3A_108 = arith.cmpi slt, %jit3A_95, %sign3A_107 : i32
    %sign3A_109 = arith.extui %sign3A_108 : i1 to i32
    %sign3A_110 = arith.subi %sign3A_106, %sign3A_109 : i32
    %ne3A_111 = arith.cmpi ne, %sign3A_103, %sign3A_110 : i32
    %rem3A_112 = arith.remsi %add3A_94, %jit3A_95 : i32
    %ne3A_113 = arith.constant 0 : i32
    %ne3A_114 = arith.cmpi ne, %rem3A_112, %ne3A_113 : i32
    %and3A_115 = arith.andi %ne3A_111, %ne3A_114 : i1
    %sub3A_116 = arith.constant 1 : i32
    %sub3A_117 = arith.subi %div3A_96, %sub3A_116 : i32
    %select_n3A_118 = arith.select %and3A_115, %sub3A_117, %div3A_96 : i32
    %while3A_119 = arith.constant 0 : i32
    %while3A_120 = arith.constant 0 : i32
    %while3A_121 = arith.subi %select_n3A_118, %while3A_120 : i32
    %while3A_122 = arith.addi %while3A_120, %while3A_121 : i32
    %while3A_123 = arith.constant 1 : i32
    %while3A_124 = arith.divsi %while3A_121, %while3A_123 : i32
    %while3A_125 = arith.muli %while3A_124, %while3A_123 : i32
    %while3A_126 = arith.addi %while3A_120, %while3A_125 : i32
    %while3A_127 = arith.constant 1 : i32
    scf.for %while3A_326 = %while3A_120 to %while3A_126 step %while3A_127  : i32 {
      %mul3A_327 = arith.constant 16 : i32
      %mul3A_328 = arith.muli %while3A_326, %mul3A_327 : i32
      %add3A_329 = vector.broadcast %mul3A_328 : i32 to vector<16xi32>
      %add3A_330 = arith.addi %iota3A, %add3A_329 : vector<16xi32>
      %lt3A_331 = arith.cmpi slt, %add3A_330, %broadcast_in_dim3A_92 : vector<16xi32>
      %get3A = arith.index_cast %mul3A_328 : i32 to index
      %get3A_332 = tpu.vector_load %arg14[%get3A] {strides = array<i32>} : memref<4112xi32, #tpu.memory_space<vmem>>, vector<16xi32>,
      %gather3A = tpu.vector_load_idx %arg17[%get3A_332] masked %lt3A_331 : memref<49824xf32, #tpu.memory_space<vmem>>[vector<16xi32>], vector<16xf32>, vector<16xi1>
      %get3A_333 = arith.index_cast %mul3A_328 : i32 to index
      %get3A_334 = tpu.vector_load %arg15[%get3A_333] {strides = array<i32>} : memref<4112xi32, #tpu.memory_space<vmem>>, vector<16xi32>,
      tpu.vector_store_idx %arg18[%get3A_334], %gather3A masked %lt3A_331 : memref<4096xf32, #tpu.memory_space<vmem>>[vector<16xi32>], vector<16xf32>, vector<16xi1>
    }
    %while3A_128 = arith.constant 1 : i32
    scf.for %while3A_326 = %while3A_126 to %while3A_122 step %while3A_128  : i32 {
      %mul3A_327 = arith.constant 16 : i32
      %mul3A_328 = arith.muli %while3A_326, %mul3A_327 : i32
      %add3A_329 = vector.broadcast %mul3A_328 : i32 to vector<16xi32>
      %add3A_330 = arith.addi %iota3A, %add3A_329 : vector<16xi32>
      %lt3A_331 = arith.cmpi slt, %add3A_330, %broadcast_in_dim3A_92 : vector<16xi32>
      %get3A = arith.index_cast %mul3A_328 : i32 to index
      %get3A_332 = tpu.vector_load %arg14[%get3A] {strides = array<i32>} : memref<4112xi32, #tpu.memory_space<vmem>>, vector<16xi32>,
      %gather3A = tpu.vector_load_idx %arg17[%get3A_332] masked %lt3A_331 : memref<49824xf32, #tpu.memory_space<vmem>>[vector<16xi32>], vector<16xf32>, vector<16xi1>
      %get3A_333 = arith.index_cast %mul3A_328 : i32 to index
      %get3A_334 = tpu.vector_load %arg15[%get3A_333] {strides = array<i32>} : memref<4112xi32, #tpu.memory_space<vmem>>, vector<16xi32>,
      tpu.vector_store_idx %arg18[%get3A_334], %gather3A masked %lt3A_331 : memref<4096xf32, #tpu.memory_space<vmem>>[vector<16xi32>], vector<16xf32>, vector<16xi1>
    }
    %dma_start3A_129 = arith.constant 0 : i32
    %dma_start3A_130 = tpu.memref_slice %arg6[%add3A_2, %dma_start3A_129] : memref<69x100000xf32, #tpu.memory_space<hbm>> -> memref<1x100000xf32, #tpu.memory_space<hbm>>
    %dma_start3A_131 = tpu.memref_squeeze %dma_start3A_130 : memref<1x100000xf32, #tpu.memory_space<hbm>> -> memref<100000xf32, #tpu.memory_space<hbm>>
    %dma_start3A_132 = arith.constant 50176 : i32
    %dma_start3A_133 = tpu.memref_slice %dma_start3A_131[%dma_start3A_132] : memref<100000xf32, #tpu.memory_space<hbm>> -> memref<49824xf32, #tpu.memory_space<hbm>>
    %dma_start3A_134 = arith.constant 0 : i32
    %dma_start3A_135 = tpu.memref_slice %arg6[%add3A_2, %dma_start3A_134] : memref<69x100000xf32, #tpu.memory_space<hbm>> -> memref<1x100000xf32, #tpu.memory_space<hbm>>
    %dma_start3A_136 = tpu.memref_squeeze %dma_start3A_135 : memref<1x100000xf32, #tpu.memory_space<hbm>> -> memref<100000xf32, #tpu.memory_space<hbm>>
    %dma_start3A_137 = arith.constant 50176 : i32
    %dma_start3A_138 = tpu.memref_slice %dma_start3A_136[%dma_start3A_137] : memref<100000xf32, #tpu.memory_space<hbm>> -> memref<49824xf32, #tpu.memory_space<hbm>>
    tpu.enqueue_dma source(%dma_start3A_138 : memref<49824xf32, #tpu.memory_space<hbm>>) target(%arg17 : memref<49824xf32, #tpu.memory_space<vmem>>) target_semaphore(%arg22 : memref<!tpu.dma_semaphore, #tpu.memory_space<semaphore_mem>>)
    %dma_start3A_139 = arith.constant 0 : i32
    %dma_start3A_140 = tpu.memref_slice %arg10[%add3A, %dma_start3A_139] : memref<69x4096xf32, #tpu.memory_space<hbm>> -> memref<1x4096xf32, #tpu.memory_space<hbm>>
    %dma_start3A_141 = tpu.memref_squeeze %dma_start3A_140 : memref<1x4096xf32, #tpu.memory_space<hbm>> -> memref<4096xf32, #tpu.memory_space<hbm>>
    %dma_start3A_142 = arith.constant 0 : i32
    %dma_start3A_143 = tpu.memref_slice %arg10[%add3A, %dma_start3A_142] : memref<69x4096xf32, #tpu.memory_space<hbm>> -> memref<1x4096xf32, #tpu.memory_space<hbm>>
    %dma_start3A_144 = tpu.memref_squeeze %dma_start3A_143 : memref<1x4096xf32, #tpu.memory_space<hbm>> -> memref<4096xf32, #tpu.memory_space<hbm>>
    tpu.enqueue_dma source(%arg18 : memref<4096xf32, #tpu.memory_space<vmem>>) target(%dma_start3A_144 : memref<4096xf32, #tpu.memory_space<hbm>>) target_semaphore(%arg23 : memref<!tpu.dma_semaphore, #tpu.memory_space<semaphore_mem>>)
    %dma_wait3A_145 = arith.constant 0 : i32
    %dma_wait3A_146 = arith.constant 0 : i32
    %dma_wait3A_147 = tpu.memref_slice %arg6[%dma_wait3A_145, %dma_wait3A_146] : memref<69x100000xf32, #tpu.memory_space<hbm>> -> memref<1x100000xf32, #tpu.memory_space<hbm>>
    %dma_wait3A_148 = tpu.memref_squeeze %dma_wait3A_147 : memref<1x100000xf32, #tpu.memory_space<hbm>> -> memref<100000xf32, #tpu.memory_space<hbm>>
    %dma_wait3A_149 = arith.constant 0 : i32
    %dma_wait3A_150 = tpu.memref_slice %dma_wait3A_148[%dma_wait3A_149] : memref<100000xf32, #tpu.memory_space<hbm>> -> memref<50176xf32, #tpu.memory_space<hbm>>
    %dma_wait3A_151 = arith.constant 0 : i32
    %dma_wait3A_152 = tpu.memref_slice %arg6[%dma_wait3A_145, %dma_wait3A_151] : memref<69x100000xf32, #tpu.memory_space<hbm>> -> memref<1x100000xf32, #tpu.memory_space<hbm>>
    %dma_wait3A_153 = tpu.memref_squeeze %dma_wait3A_152 : memref<1x100000xf32, #tpu.memory_space<hbm>> -> memref<100000xf32, #tpu.memory_space<hbm>>
    %dma_wait3A_154 = arith.constant 0 : i32
    %dma_wait3A_155 = tpu.memref_slice %dma_wait3A_153[%dma_wait3A_154] : memref<100000xf32, #tpu.memory_space<hbm>> -> memref<50176xf32, #tpu.memory_space<hbm>>
    tpu.wait_dma2 semaphore(%arg21 : memref<!tpu.dma_semaphore, #tpu.memory_space<semaphore_mem>>) src(%dma_wait3A_155 : memref<50176xf32, #tpu.memory_space<hbm>>) dst(%arg16 : memref<50176xf32, #tpu.memory_space<vmem>>)
    %broadcast_in_dim3A_156 = vector.broadcast %scan3A_33#0 : i32 to vector<16xi32>
    %add3A_157 = arith.constant 15 : i32
    %add3A_158 = arith.addi %scan3A_33#0, %add3A_157 : i32
    %jit3A_159 = arith.constant 16 : i32
    %div3A_160 = arith.divsi %add3A_158, %jit3A_159 : i32
    %sign3A_161 = arith.constant 0 : i32
    %sign3A_162 = arith.cmpi sgt, %add3A_158, %sign3A_161 : i32
    %sign3A_163 = arith.extui %sign3A_162 : i1 to i32
    %sign3A_164 = arith.constant 0 : i32
    %sign3A_165 = arith.cmpi slt, %add3A_158, %sign3A_164 : i32
    %sign3A_166 = arith.extui %sign3A_165 : i1 to i32
    %sign3A_167 = arith.subi %sign3A_163, %sign3A_166 : i32
    %sign3A_168 = arith.constant 0 : i32
    %sign3A_169 = arith.cmpi sgt, %jit3A_159, %sign3A_168 : i32
    %sign3A_170 = arith.extui %sign3A_169 : i1 to i32
    %sign3A_171 = arith.constant 0 : i32
    %sign3A_172 = arith.cmpi slt, %jit3A_159, %sign3A_171 : i32
    %sign3A_173 = arith.extui %sign3A_172 : i1 to i32
    %sign3A_174 = arith.subi %sign3A_170, %sign3A_173 : i32
    %ne3A_175 = arith.cmpi ne, %sign3A_167, %sign3A_174 : i32
    %rem3A_176 = arith.remsi %add3A_158, %jit3A_159 : i32
    %ne3A_177 = arith.constant 0 : i32
    %ne3A_178 = arith.cmpi ne, %rem3A_176, %ne3A_177 : i32
    %and3A_179 = arith.andi %ne3A_175, %ne3A_178 : i1
    %sub3A_180 = arith.constant 1 : i32
    %sub3A_181 = arith.subi %div3A_160, %sub3A_180 : i32
    %select_n3A_182 = arith.select %and3A_179, %sub3A_181, %div3A_160 : i32
    %while3A_183 = arith.constant 0 : i32
    %while3A_184 = arith.constant 0 : i32
    %while3A_185 = arith.subi %select_n3A_182, %while3A_184 : i32
    %while3A_186 = arith.addi %while3A_184, %while3A_185 : i32
    %while3A_187 = arith.constant 1 : i32
    %while3A_188 = arith.divsi %while3A_185, %while3A_187 : i32
    %while3A_189 = arith.muli %while3A_188, %while3A_187 : i32
    %while3A_190 = arith.addi %while3A_184, %while3A_189 : i32
    %while3A_191 = arith.constant 1 : i32
    scf.for %while3A_326 = %while3A_184 to %while3A_190 step %while3A_191  : i32 {
      %mul3A_327 = arith.constant 16 : i32
      %mul3A_328 = arith.muli %while3A_326, %mul3A_327 : i32
      %add3A_329 = vector.broadcast %mul3A_328 : i32 to vector<16xi32>
      %add3A_330 = arith.addi %iota3A, %add3A_329 : vector<16xi32>
      %lt3A_331 = arith.cmpi slt, %add3A_330, %broadcast_in_dim3A_156 : vector<16xi32>
      %get3A = arith.index_cast %mul3A_328 : i32 to index
      %get3A_332 = tpu.vector_load %arg12[%get3A] {strides = array<i32>} : memref<4112xi32, #tpu.memory_space<vmem>>, vector<16xi32>,
      %gather3A = tpu.vector_load_idx %arg16[%get3A_332] masked %lt3A_331 : memref<50176xf32, #tpu.memory_space<vmem>>[vector<16xi32>], vector<16xf32>, vector<16xi1>
      %get3A_333 = arith.index_cast %mul3A_328 : i32 to index
      %get3A_334 = tpu.vector_load %arg13[%get3A_333] {strides = array<i32>} : memref<4112xi32, #tpu.memory_space<vmem>>, vector<16xi32>,
      tpu.vector_store_idx %arg19[%get3A_334], %gather3A masked %lt3A_331 : memref<4096xf32, #tpu.memory_space<vmem>>[vector<16xi32>], vector<16xf32>, vector<16xi1>
    }
    %while3A_192 = arith.constant 1 : i32
    scf.for %while3A_326 = %while3A_190 to %while3A_186 step %while3A_192  : i32 {
      %mul3A_327 = arith.constant 16 : i32
      %mul3A_328 = arith.muli %while3A_326, %mul3A_327 : i32
      %add3A_329 = vector.broadcast %mul3A_328 : i32 to vector<16xi32>
      %add3A_330 = arith.addi %iota3A, %add3A_329 : vector<16xi32>
      %lt3A_331 = arith.cmpi slt, %add3A_330, %broadcast_in_dim3A_156 : vector<16xi32>
      %get3A = arith.index_cast %mul3A_328 : i32 to index
      %get3A_332 = tpu.vector_load %arg12[%get3A] {strides = array<i32>} : memref<4112xi32, #tpu.memory_space<vmem>>, vector<16xi32>,
      %gather3A = tpu.vector_load_idx %arg16[%get3A_332] masked %lt3A_331 : memref<50176xf32, #tpu.memory_space<vmem>>[vector<16xi32>], vector<16xf32>, vector<16xi1>
      %get3A_333 = arith.index_cast %mul3A_328 : i32 to index
      %get3A_334 = tpu.vector_load %arg13[%get3A_333] {strides = array<i32>} : memref<4112xi32, #tpu.memory_space<vmem>>, vector<16xi32>,
      tpu.vector_store_idx %arg19[%get3A_334], %gather3A masked %lt3A_331 : memref<4096xf32, #tpu.memory_space<vmem>>[vector<16xi32>], vector<16xf32>, vector<16xi1>
    }
    %lt3A = arith.constant 69 : i32
    %lt3A_193 = arith.cmpi slt, %add3A_8, %lt3A : i32
    %convert_element_type3A = arith.extui %lt3A_193 : i1 to i32
    %cond3A = arith.constant 0 : i32
    %cond3A_194 = arith.cmpi ne, %convert_element_type3A, %cond3A : i32
    scf.if %cond3A_194 {
      %dma_start3A_326 = arith.constant 0 : i32
      %dma_start3A_327 = tpu.memref_slice %arg6[%add3A_8, %dma_start3A_326] : memref<69x100000xf32, #tpu.memory_space<hbm>> -> memref<1x100000xf32, #tpu.memory_space<hbm>>
      %dma_start3A_328 = tpu.memref_squeeze %dma_start3A_327 : memref<1x100000xf32, #tpu.memory_space<hbm>> -> memref<100000xf32, #tpu.memory_space<hbm>>
      %dma_start3A_329 = arith.constant 0 : i32
      %dma_start3A_330 = tpu.memref_slice %dma_start3A_328[%dma_start3A_329] : memref<100000xf32, #tpu.memory_space<hbm>> -> memref<50176xf32, #tpu.memory_space<hbm>>
      %dma_start3A_331 = arith.constant 0 : i32
      %dma_start3A_332 = tpu.memref_slice %arg6[%add3A_8, %dma_start3A_331] : memref<69x100000xf32, #tpu.memory_space<hbm>> -> memref<1x100000xf32, #tpu.memory_space<hbm>>
      %dma_start3A_333 = tpu.memref_squeeze %dma_start3A_332 : memref<1x100000xf32, #tpu.memory_space<hbm>> -> memref<100000xf32, #tpu.memory_space<hbm>>
      %dma_start3A_334 = arith.constant 0 : i32
      %dma_start3A_335 = tpu.memref_slice %dma_start3A_333[%dma_start3A_334] : memref<100000xf32, #tpu.memory_space<hbm>> -> memref<50176xf32, #tpu.memory_space<hbm>>
      tpu.enqueue_dma source(%dma_start3A_335 : memref<50176xf32, #tpu.memory_space<hbm>>) target(%arg16 : memref<50176xf32, #tpu.memory_space<vmem>>) target_semaphore(%arg21 : memref<!tpu.dma_semaphore, #tpu.memory_space<semaphore_mem>>)
    } else {
    }
    %ge3A = arith.constant 69 : i32
    %ge3A_195 = arith.cmpi sge, %add3A_8, %ge3A : i32
    %lt3A_196 = arith.constant 72 : i32
    %lt3A_197 = arith.cmpi slt, %add3A_8, %lt3A_196 : i32
    %and3A_198 = arith.andi %ge3A_195, %lt3A_197 : i1
    %convert_element_type3A_199 = arith.extui %and3A_198 : i1 to i32
    %cond3A_200 = arith.constant 0 : i32
    %cond3A_201 = arith.cmpi ne, %convert_element_type3A_199, %cond3A_200 : i32
    scf.if %cond3A_201 {
      %sub3A_326 = arith.constant 69 : i32
      %sub3A_327 = arith.subi %add3A_8, %sub3A_326 : i32
      %dma_start3A_328 = arith.constant 0 : i32
      %dma_start3A_329 = tpu.memref_slice %arg4[%sub3A_327, %dma_start3A_328] : memref<3x100000xf32, #tpu.memory_space<hbm>> -> memref<1x100000xf32, #tpu.memory_space<hbm>>
      %dma_start3A_330 = tpu.memref_squeeze %dma_start3A_329 : memref<1x100000xf32, #tpu.memory_space<hbm>> -> memref<100000xf32, #tpu.memory_space<hbm>>
      %dma_start3A_331 = arith.constant 0 : i32
      %dma_start3A_332 = tpu.memref_slice %dma_start3A_330[%dma_start3A_331] : memref<100000xf32, #tpu.memory_space<hbm>> -> memref<50176xf32, #tpu.memory_space<hbm>>
      %dma_start3A_333 = arith.constant 0 : i32
      %dma_start3A_334 = tpu.memref_slice %arg4[%sub3A_327, %dma_start3A_333] : memref<3x100000xf32, #tpu.memory_space<hbm>> -> memref<1x100000xf32, #tpu.memory_space<hbm>>
      %dma_start3A_335 = tpu.memref_squeeze %dma_start3A_334 : memref<1x100000xf32, #tpu.memory_space<hbm>> -> memref<100000xf32, #tpu.memory_space<hbm>>
      %dma_start3A_336 = arith.constant 0 : i32
      %dma_start3A_337 = tpu.memref_slice %dma_start3A_335[%dma_start3A_336] : memref<100000xf32, #tpu.memory_space<hbm>> -> memref<50176xf32, #tpu.memory_space<hbm>>
      tpu.enqueue_dma source(%dma_start3A_337 : memref<50176xf32, #tpu.memory_space<hbm>>) target(%arg16 : memref<50176xf32, #tpu.memory_space<vmem>>) target_semaphore(%arg21 : memref<!tpu.dma_semaphore, #tpu.memory_space<semaphore_mem>>)
    } else {
    }
    %ge3A_202 = arith.constant 72 : i32
    %ge3A_203 = arith.cmpi sge, %add3A_8, %ge3A_202 : i32
    %lt3A_204 = arith.constant 75 : i32
    %lt3A_205 = arith.cmpi slt, %add3A_8, %lt3A_204 : i32
    %and3A_206 = arith.andi %ge3A_203, %lt3A_205 : i1
    %convert_element_type3A_207 = arith.extui %and3A_206 : i1 to i32
    %cond3A_208 = arith.constant 0 : i32
    %cond3A_209 = arith.cmpi ne, %convert_element_type3A_207, %cond3A_208 : i32
    scf.if %cond3A_209 {
      %sub3A_326 = arith.constant 72 : i32
      %sub3A_327 = arith.subi %add3A_8, %sub3A_326 : i32
      %dma_start3A_328 = arith.constant 0 : i32
      %dma_start3A_329 = tpu.memref_slice %arg5[%sub3A_327, %dma_start3A_328] : memref<3x100000xf32, #tpu.memory_space<hbm>> -> memref<1x100000xf32, #tpu.memory_space<hbm>>
      %dma_start3A_330 = tpu.memref_squeeze %dma_start3A_329 : memref<1x100000xf32, #tpu.memory_space<hbm>> -> memref<100000xf32, #tpu.memory_space<hbm>>
      %dma_start3A_331 = arith.constant 0 : i32
      %dma_start3A_332 = tpu.memref_slice %dma_start3A_330[%dma_start3A_331] : memref<100000xf32, #tpu.memory_space<hbm>> -> memref<50176xf32, #tpu.memory_space<hbm>>
      %dma_start3A_333 = arith.constant 0 : i32
      %dma_start3A_334 = tpu.memref_slice %arg5[%sub3A_327, %dma_start3A_333] : memref<3x100000xf32, #tpu.memory_space<hbm>> -> memref<1x100000xf32, #tpu.memory_space<hbm>>
      %dma_start3A_335 = tpu.memref_squeeze %dma_start3A_334 : memref<1x100000xf32, #tpu.memory_space<hbm>> -> memref<100000xf32, #tpu.memory_space<hbm>>
      %dma_start3A_336 = arith.constant 0 : i32
      %dma_start3A_337 = tpu.memref_slice %dma_start3A_335[%dma_start3A_336] : memref<100000xf32, #tpu.memory_space<hbm>> -> memref<50176xf32, #tpu.memory_space<hbm>>
      tpu.enqueue_dma source(%dma_start3A_337 : memref<50176xf32, #tpu.memory_space<hbm>>) target(%arg16 : memref<50176xf32, #tpu.memory_space<vmem>>) target_semaphore(%arg21 : memref<!tpu.dma_semaphore, #tpu.memory_space<semaphore_mem>>)
    } else {
    }
    %dma_wait3A_210 = arith.constant 0 : i32
    %dma_wait3A_211 = arith.constant 0 : i32
    %dma_wait3A_212 = tpu.memref_slice %arg6[%dma_wait3A_210, %dma_wait3A_211] : memref<69x100000xf32, #tpu.memory_space<hbm>> -> memref<1x100000xf32, #tpu.memory_space<hbm>>
    %dma_wait3A_213 = tpu.memref_squeeze %dma_wait3A_212 : memref<1x100000xf32, #tpu.memory_space<hbm>> -> memref<100000xf32, #tpu.memory_space<hbm>>
    %dma_wait3A_214 = arith.constant 50176 : i32
    %dma_wait3A_215 = tpu.memref_slice %dma_wait3A_213[%dma_wait3A_214] : memref<100000xf32, #tpu.memory_space<hbm>> -> memref<49824xf32, #tpu.memory_space<hbm>>
    %dma_wait3A_216 = arith.constant 0 : i32
    %dma_wait3A_217 = tpu.memref_slice %arg6[%dma_wait3A_210, %dma_wait3A_216] : memref<69x100000xf32, #tpu.memory_space<hbm>> -> memref<1x100000xf32, #tpu.memory_space<hbm>>
    %dma_wait3A_218 = tpu.memref_squeeze %dma_wait3A_217 : memref<1x100000xf32, #tpu.memory_space<hbm>> -> memref<100000xf32, #tpu.memory_space<hbm>>
    %dma_wait3A_219 = arith.constant 50176 : i32
    %dma_wait3A_220 = tpu.memref_slice %dma_wait3A_218[%dma_wait3A_219] : memref<100000xf32, #tpu.memory_space<hbm>> -> memref<49824xf32, #tpu.memory_space<hbm>>
    tpu.wait_dma2 semaphore(%arg22 : memref<!tpu.dma_semaphore, #tpu.memory_space<semaphore_mem>>) src(%dma_wait3A_220 : memref<49824xf32, #tpu.memory_space<hbm>>) dst(%arg17 : memref<49824xf32, #tpu.memory_space<vmem>>)
    %broadcast_in_dim3A_221 = vector.broadcast %scan3A_33#1 : i32 to vector<16xi32>
    %add3A_222 = arith.constant 15 : i32
    %add3A_223 = arith.addi %scan3A_33#1, %add3A_222 : i32
    %jit3A_224 = arith.constant 16 : i32
    %div3A_225 = arith.divsi %add3A_223, %jit3A_224 : i32
    %sign3A_226 = arith.constant 0 : i32
    %sign3A_227 = arith.cmpi sgt, %add3A_223, %sign3A_226 : i32
    %sign3A_228 = arith.extui %sign3A_227 : i1 to i32
    %sign3A_229 = arith.constant 0 : i32
    %sign3A_230 = arith.cmpi slt, %add3A_223, %sign3A_229 : i32
    %sign3A_231 = arith.extui %sign3A_230 : i1 to i32
    %sign3A_232 = arith.subi %sign3A_228, %sign3A_231 : i32
    %sign3A_233 = arith.constant 0 : i32
    %sign3A_234 = arith.cmpi sgt, %jit3A_224, %sign3A_233 : i32
    %sign3A_235 = arith.extui %sign3A_234 : i1 to i32
    %sign3A_236 = arith.constant 0 : i32
    %sign3A_237 = arith.cmpi slt, %jit3A_224, %sign3A_236 : i32
    %sign3A_238 = arith.extui %sign3A_237 : i1 to i32
    %sign3A_239 = arith.subi %sign3A_235, %sign3A_238 : i32
    %ne3A_240 = arith.cmpi ne, %sign3A_232, %sign3A_239 : i32
    %rem3A_241 = arith.remsi %add3A_223, %jit3A_224 : i32
    %ne3A_242 = arith.constant 0 : i32
    %ne3A_243 = arith.cmpi ne, %rem3A_241, %ne3A_242 : i32
    %and3A_244 = arith.andi %ne3A_240, %ne3A_243 : i1
    %sub3A_245 = arith.constant 1 : i32
    %sub3A_246 = arith.subi %div3A_225, %sub3A_245 : i32
    %select_n3A_247 = arith.select %and3A_244, %sub3A_246, %div3A_225 : i32
    %while3A_248 = arith.constant 0 : i32
    %while3A_249 = arith.constant 0 : i32
    %while3A_250 = arith.subi %select_n3A_247, %while3A_249 : i32
    %while3A_251 = arith.addi %while3A_249, %while3A_250 : i32
    %while3A_252 = arith.constant 1 : i32
    %while3A_253 = arith.divsi %while3A_250, %while3A_252 : i32
    %while3A_254 = arith.muli %while3A_253, %while3A_252 : i32
    %while3A_255 = arith.addi %while3A_249, %while3A_254 : i32
    %while3A_256 = arith.constant 1 : i32
    scf.for %while3A_326 = %while3A_249 to %while3A_255 step %while3A_256  : i32 {
      %mul3A_327 = arith.constant 16 : i32
      %mul3A_328 = arith.muli %while3A_326, %mul3A_327 : i32
      %add3A_329 = vector.broadcast %mul3A_328 : i32 to vector<16xi32>
      %add3A_330 = arith.addi %iota3A, %add3A_329 : vector<16xi32>
      %lt3A_331 = arith.cmpi slt, %add3A_330, %broadcast_in_dim3A_221 : vector<16xi32>
      %get3A = arith.index_cast %mul3A_328 : i32 to index
      %get3A_332 = tpu.vector_load %arg14[%get3A] {strides = array<i32>} : memref<4112xi32, #tpu.memory_space<vmem>>, vector<16xi32>,
      %gather3A = tpu.vector_load_idx %arg17[%get3A_332] masked %lt3A_331 : memref<49824xf32, #tpu.memory_space<vmem>>[vector<16xi32>], vector<16xf32>, vector<16xi1>
      %get3A_333 = arith.index_cast %mul3A_328 : i32 to index
      %get3A_334 = tpu.vector_load %arg15[%get3A_333] {strides = array<i32>} : memref<4112xi32, #tpu.memory_space<vmem>>, vector<16xi32>,
      tpu.vector_store_idx %arg19[%get3A_334], %gather3A masked %lt3A_331 : memref<4096xf32, #tpu.memory_space<vmem>>[vector<16xi32>], vector<16xf32>, vector<16xi1>
    }
    %while3A_257 = arith.constant 1 : i32
    scf.for %while3A_326 = %while3A_255 to %while3A_251 step %while3A_257  : i32 {
      %mul3A_327 = arith.constant 16 : i32
      %mul3A_328 = arith.muli %while3A_326, %mul3A_327 : i32
      %add3A_329 = vector.broadcast %mul3A_328 : i32 to vector<16xi32>
      %add3A_330 = arith.addi %iota3A, %add3A_329 : vector<16xi32>
      %lt3A_331 = arith.cmpi slt, %add3A_330, %broadcast_in_dim3A_221 : vector<16xi32>
      %get3A = arith.index_cast %mul3A_328 : i32 to index
      %get3A_332 = tpu.vector_load %arg14[%get3A] {strides = array<i32>} : memref<4112xi32, #tpu.memory_space<vmem>>, vector<16xi32>,
      %gather3A = tpu.vector_load_idx %arg17[%get3A_332] masked %lt3A_331 : memref<49824xf32, #tpu.memory_space<vmem>>[vector<16xi32>], vector<16xf32>, vector<16xi1>
      %get3A_333 = arith.index_cast %mul3A_328 : i32 to index
      %get3A_334 = tpu.vector_load %arg15[%get3A_333] {strides = array<i32>} : memref<4112xi32, #tpu.memory_space<vmem>>, vector<16xi32>,
      tpu.vector_store_idx %arg19[%get3A_334], %gather3A masked %lt3A_331 : memref<4096xf32, #tpu.memory_space<vmem>>[vector<16xi32>], vector<16xf32>, vector<16xi1>
    }
    %lt3A_258 = arith.constant 69 : i32
    %lt3A_259 = arith.cmpi slt, %add3A_8, %lt3A_258 : i32
    %convert_element_type3A_260 = arith.extui %lt3A_259 : i1 to i32
    %cond3A_261 = arith.constant 0 : i32
    %cond3A_262 = arith.cmpi ne, %convert_element_type3A_260, %cond3A_261 : i32
    scf.if %cond3A_262 {
      %dma_start3A_326 = arith.constant 0 : i32
      %dma_start3A_327 = tpu.memref_slice %arg6[%add3A_8, %dma_start3A_326] : memref<69x100000xf32, #tpu.memory_space<hbm>> -> memref<1x100000xf32, #tpu.memory_space<hbm>>
      %dma_start3A_328 = tpu.memref_squeeze %dma_start3A_327 : memref<1x100000xf32, #tpu.memory_space<hbm>> -> memref<100000xf32, #tpu.memory_space<hbm>>
      %dma_start3A_329 = arith.constant 50176 : i32
      %dma_start3A_330 = tpu.memref_slice %dma_start3A_328[%dma_start3A_329] : memref<100000xf32, #tpu.memory_space<hbm>> -> memref<49824xf32, #tpu.memory_space<hbm>>
      %dma_start3A_331 = arith.constant 0 : i32
      %dma_start3A_332 = tpu.memref_slice %arg6[%add3A_8, %dma_start3A_331] : memref<69x100000xf32, #tpu.memory_space<hbm>> -> memref<1x100000xf32, #tpu.memory_space<hbm>>
      %dma_start3A_333 = tpu.memref_squeeze %dma_start3A_332 : memref<1x100000xf32, #tpu.memory_space<hbm>> -> memref<100000xf32, #tpu.memory_space<hbm>>
      %dma_start3A_334 = arith.constant 50176 : i32
      %dma_start3A_335 = tpu.memref_slice %dma_start3A_333[%dma_start3A_334] : memref<100000xf32, #tpu.memory_space<hbm>> -> memref<49824xf32, #tpu.memory_space<hbm>>
      tpu.enqueue_dma source(%dma_start3A_335 : memref<49824xf32, #tpu.memory_space<hbm>>) target(%arg17 : memref<49824xf32, #tpu.memory_space<vmem>>) target_semaphore(%arg22 : memref<!tpu.dma_semaphore, #tpu.memory_space<semaphore_mem>>)
    } else {
    }
    %ge3A_263 = arith.constant 69 : i32
    %ge3A_264 = arith.cmpi sge, %add3A_8, %ge3A_263 : i32
    %lt3A_265 = arith.constant 72 : i32
    %lt3A_266 = arith.cmpi slt, %add3A_8, %lt3A_265 : i32
    %and3A_267 = arith.andi %ge3A_264, %lt3A_266 : i1
    %convert_element_type3A_268 = arith.extui %and3A_267 : i1 to i32
    %cond3A_269 = arith.constant 0 : i32
    %cond3A_270 = arith.cmpi ne, %convert_element_type3A_268, %cond3A_269 : i32
    scf.if %cond3A_270 {
      %sub3A_326 = arith.constant 69 : i32
      %sub3A_327 = arith.subi %add3A_8, %sub3A_326 : i32
      %dma_start3A_328 = arith.constant 0 : i32
      %dma_start3A_329 = tpu.memref_slice %arg4[%sub3A_327, %dma_start3A_328] : memref<3x100000xf32, #tpu.memory_space<hbm>> -> memref<1x100000xf32, #tpu.memory_space<hbm>>
      %dma_start3A_330 = tpu.memref_squeeze %dma_start3A_329 : memref<1x100000xf32, #tpu.memory_space<hbm>> -> memref<100000xf32, #tpu.memory_space<hbm>>
      %dma_start3A_331 = arith.constant 50176 : i32
      %dma_start3A_332 = tpu.memref_slice %dma_start3A_330[%dma_start3A_331] : memref<100000xf32, #tpu.memory_space<hbm>> -> memref<49824xf32, #tpu.memory_space<hbm>>
      %dma_start3A_333 = arith.constant 0 : i32
      %dma_start3A_334 = tpu.memref_slice %arg4[%sub3A_327, %dma_start3A_333] : memref<3x100000xf32, #tpu.memory_space<hbm>> -> memref<1x100000xf32, #tpu.memory_space<hbm>>
      %dma_start3A_335 = tpu.memref_squeeze %dma_start3A_334 : memref<1x100000xf32, #tpu.memory_space<hbm>> -> memref<100000xf32, #tpu.memory_space<hbm>>
      %dma_start3A_336 = arith.constant 50176 : i32
      %dma_start3A_337 = tpu.memref_slice %dma_start3A_335[%dma_start3A_336] : memref<100000xf32, #tpu.memory_space<hbm>> -> memref<49824xf32, #tpu.memory_space<hbm>>
      tpu.enqueue_dma source(%dma_start3A_337 : memref<49824xf32, #tpu.memory_space<hbm>>) target(%arg17 : memref<49824xf32, #tpu.memory_space<vmem>>) target_semaphore(%arg22 : memref<!tpu.dma_semaphore, #tpu.memory_space<semaphore_mem>>)
    } else {
    }
    %ge3A_271 = arith.constant 72 : i32
    %ge3A_272 = arith.cmpi sge, %add3A_8, %ge3A_271 : i32
    %lt3A_273 = arith.constant 75 : i32
    %lt3A_274 = arith.cmpi slt, %add3A_8, %lt3A_273 : i32
    %and3A_275 = arith.andi %ge3A_272, %lt3A_274 : i1
    %convert_element_type3A_276 = arith.extui %and3A_275 : i1 to i32
    %cond3A_277 = arith.constant 0 : i32
    %cond3A_278 = arith.cmpi ne, %convert_element_type3A_276, %cond3A_277 : i32
    scf.if %cond3A_278 {
      %sub3A_326 = arith.constant 72 : i32
      %sub3A_327 = arith.subi %add3A_8, %sub3A_326 : i32
      %dma_start3A_328 = arith.constant 0 : i32
      %dma_start3A_329 = tpu.memref_slice %arg5[%sub3A_327, %dma_start3A_328] : memref<3x100000xf32, #tpu.memory_space<hbm>> -> memref<1x100000xf32, #tpu.memory_space<hbm>>
      %dma_start3A_330 = tpu.memref_squeeze %dma_start3A_329 : memref<1x100000xf32, #tpu.memory_space<hbm>> -> memref<100000xf32, #tpu.memory_space<hbm>>
      %dma_start3A_331 = arith.constant 50176 : i32
      %dma_start3A_332 = tpu.memref_slice %dma_start3A_330[%dma_start3A_331] : memref<100000xf32, #tpu.memory_space<hbm>> -> memref<49824xf32, #tpu.memory_space<hbm>>
      %dma_start3A_333 = arith.constant 0 : i32
      %dma_start3A_334 = tpu.memref_slice %arg5[%sub3A_327, %dma_start3A_333] : memref<3x100000xf32, #tpu.memory_space<hbm>> -> memref<1x100000xf32, #tpu.memory_space<hbm>>
      %dma_start3A_335 = tpu.memref_squeeze %dma_start3A_334 : memref<1x100000xf32, #tpu.memory_space<hbm>> -> memref<100000xf32, #tpu.memory_space<hbm>>
      %dma_start3A_336 = arith.constant 50176 : i32
      %dma_start3A_337 = tpu.memref_slice %dma_start3A_335[%dma_start3A_336] : memref<100000xf32, #tpu.memory_space<hbm>> -> memref<49824xf32, #tpu.memory_space<hbm>>
      tpu.enqueue_dma source(%dma_start3A_337 : memref<49824xf32, #tpu.memory_space<hbm>>) target(%arg17 : memref<49824xf32, #tpu.memory_space<vmem>>) target_semaphore(%arg22 : memref<!tpu.dma_semaphore, #tpu.memory_space<semaphore_mem>>)
    } else {
    }
    %dma_wait3A_279 = arith.constant 0 : i32
    %dma_wait3A_280 = tpu.memref_slice %arg10[%add3A, %dma_wait3A_279] : memref<69x4096xf32, #tpu.memory_space<hbm>> -> memref<1x4096xf32, #tpu.memory_space<hbm>>
    %dma_wait3A_281 = tpu.memref_squeeze %dma_wait3A_280 : memref<1x4096xf32, #tpu.memory_space<hbm>> -> memref<4096xf32, #tpu.memory_space<hbm>>
    %dma_wait3A_282 = arith.constant 0 : i32
    %dma_wait3A_283 = tpu.memref_slice %arg10[%add3A, %dma_wait3A_282] : memref<69x4096xf32, #tpu.memory_space<hbm>> -> memref<1x4096xf32, #tpu.memory_space<hbm>>
    %dma_wait3A_284 = tpu.memref_squeeze %dma_wait3A_283 : memref<1x4096xf32, #tpu.memory_space<hbm>> -> memref<4096xf32, #tpu.memory_space<hbm>>
    tpu.wait_dma2 semaphore(%arg23 : memref<!tpu.dma_semaphore, #tpu.memory_space<semaphore_mem>>) src(%arg18 : memref<4096xf32, #tpu.memory_space<vmem>>) dst(%dma_wait3A_284 : memref<4096xf32, #tpu.memory_space<hbm>>)
    %dma_start3A_285 = arith.constant 0 : i32
    %dma_start3A_286 = tpu.memref_slice %arg10[%add3A_2, %dma_start3A_285] : memref<69x4096xf32, #tpu.memory_space<hbm>> -> memref<1x4096xf32, #tpu.memory_space<hbm>>
    %dma_start3A_287 = tpu.memref_squeeze %dma_start3A_286 : memref<1x4096xf32, #tpu.memory_space<hbm>> -> memref<4096xf32, #tpu.memory_space<hbm>>
    %dma_start3A_288 = arith.constant 0 : i32
    %dma_start3A_289 = tpu.memref_slice %arg10[%add3A_2, %dma_start3A_288] : memref<69x4096xf32, #tpu.memory_space<hbm>> -> memref<1x4096xf32, #tpu.memory_space<hbm>>
    %dma_start3A_290 = tpu.memref_squeeze %dma_start3A_289 : memref<1x4096xf32, #tpu.memory_space<hbm>> -> memref<4096xf32, #tpu.memory_space<hbm>>
    tpu.enqueue_dma source(%arg19 : memref<4096xf32, #tpu.memory_space<vmem>>) target(%dma_start3A_290 : memref<4096xf32, #tpu.memory_space<hbm>>) target_semaphore(%arg23 : memref<!tpu.dma_semaphore, #tpu.memory_space<semaphore_mem>>)
    %dma_wait3A_291 = arith.constant 0 : i32
    %dma_wait3A_292 = tpu.memref_slice %arg10[%add3A_2, %dma_wait3A_291] : memref<69x4096xf32, #tpu.memory_space<hbm>> -> memref<1x4096xf32, #tpu.memory_space<hbm>>
    %dma_wait3A_293 = tpu.memref_squeeze %dma_wait3A_292 : memref<1x4096xf32, #tpu.memory_space<hbm>> -> memref<4096xf32, #tpu.memory_space<hbm>>
    %dma_wait3A_294 = arith.constant 0 : i32
    %dma_wait3A_295 = tpu.memref_slice %arg10[%add3A_2, %dma_wait3A_294] : memref<69x4096xf32, #tpu.memory_space<hbm>> -> memref<1x4096xf32, #tpu.memory_space<hbm>>
    %dma_wait3A_296 = tpu.memref_squeeze %dma_wait3A_295 : memref<1x4096xf32, #tpu.memory_space<hbm>> -> memref<4096xf32, #tpu.memory_space<hbm>>
    tpu.wait_dma2 semaphore(%arg23 : memref<!tpu.dma_semaphore, #tpu.memory_space<semaphore_mem>>) src(%arg19 : memref<4096xf32, #tpu.memory_space<vmem>>) dst(%dma_wait3A_296 : memref<4096xf32, #tpu.memory_space<hbm>>)
    %lt3A_297 = arith.constant 69 : i32
    %lt3A_298 = arith.cmpi slt, %add3A_8, %lt3A_297 : i32
    %convert_element_type3A_299 = arith.extui %lt3A_298 : i1 to i32
    %cond3A_300 = arith.constant 0 : i32
    %cond3A_301 = arith.cmpi ne, %convert_element_type3A_299, %cond3A_300 : i32
    scf.if %cond3A_301 {
      %dma_wait3A_326 = arith.constant 0 : i32
      %dma_wait3A_327 = arith.constant 0 : i32
      %dma_wait3A_328 = tpu.memref_slice %arg6[%dma_wait3A_326, %dma_wait3A_327] : memref<69x100000xf32, #tpu.memory_space<hbm>> -> memref<1x100000xf32, #tpu.memory_space<hbm>>
      %dma_wait3A_329 = tpu.memref_squeeze %dma_wait3A_328 : memref<1x100000xf32, #tpu.memory_space<hbm>> -> memref<100000xf32, #tpu.memory_space<hbm>>
      %dma_wait3A_330 = arith.constant 0 : i32
      %dma_wait3A_331 = tpu.memref_slice %dma_wait3A_329[%dma_wait3A_330] : memref<100000xf32, #tpu.memory_space<hbm>> -> memref<50176xf32, #tpu.memory_space<hbm>>
      %dma_wait3A_332 = arith.constant 0 : i32
      %dma_wait3A_333 = tpu.memref_slice %arg6[%dma_wait3A_326, %dma_wait3A_332] : memref<69x100000xf32, #tpu.memory_space<hbm>> -> memref<1x100000xf32, #tpu.memory_space<hbm>>
      %dma_wait3A_334 = tpu.memref_squeeze %dma_wait3A_333 : memref<1x100000xf32, #tpu.memory_space<hbm>> -> memref<100000xf32, #tpu.memory_space<hbm>>
      %dma_wait3A_335 = arith.constant 0 : i32
      %dma_wait3A_336 = tpu.memref_slice %dma_wait3A_334[%dma_wait3A_335] : memref<100000xf32, #tpu.memory_space<hbm>> -> memref<50176xf32, #tpu.memory_space<hbm>>
      tpu.wait_dma2 semaphore(%arg21 : memref<!tpu.dma_semaphore, #tpu.memory_space<semaphore_mem>>) src(%dma_wait3A_336 : memref<50176xf32, #tpu.memory_space<hbm>>) dst(%arg16 : memref<50176xf32, #tpu.memory_space<vmem>>)
      %broadcast_in_dim3A_337 = vector.broadcast %scan3A_33#0 : i32 to vector<16xi32>
      %add3A_338 = arith.constant 15 : i32
      %add3A_339 = arith.addi %scan3A_33#0, %add3A_338 : i32
      %jit3A_340 = arith.constant 16 : i32
      %div3A_341 = arith.divsi %add3A_339, %jit3A_340 : i32
      %sign3A_342 = arith.constant 0 : i32
      %sign3A_343 = arith.cmpi sgt, %add3A_339, %sign3A_342 : i32
      %sign3A_344 = arith.extui %sign3A_343 : i1 to i32
      %sign3A_345 = arith.constant 0 : i32
      %sign3A_346 = arith.cmpi slt, %add3A_339, %sign3A_345 : i32
      %sign3A_347 = arith.extui %sign3A_346 : i1 to i32
      %sign3A_348 = arith.subi %sign3A_344, %sign3A_347 : i32
      %sign3A_349 = arith.constant 0 : i32
      %sign3A_350 = arith.cmpi sgt, %jit3A_340, %sign3A_349 : i32
      %sign3A_351 = arith.extui %sign3A_350 : i1 to i32
      %sign3A_352 = arith.constant 0 : i32
      %sign3A_353 = arith.cmpi slt, %jit3A_340, %sign3A_352 : i32
      %sign3A_354 = arith.extui %sign3A_353 : i1 to i32
      %sign3A_355 = arith.subi %sign3A_351, %sign3A_354 : i32
      %ne3A_356 = arith.cmpi ne, %sign3A_348, %sign3A_355 : i32
      %rem3A_357 = arith.remsi %add3A_339, %jit3A_340 : i32
      %ne3A_358 = arith.constant 0 : i32
      %ne3A_359 = arith.cmpi ne, %rem3A_357, %ne3A_358 : i32
      %and3A_360 = arith.andi %ne3A_356, %ne3A_359 : i1
      %sub3A_361 = arith.constant 1 : i32
      %sub3A_362 = arith.subi %div3A_341, %sub3A_361 : i32
      %select_n3A_363 = arith.select %and3A_360, %sub3A_362, %div3A_341 : i32
      %while3A_364 = arith.constant 0 : i32
      %while3A_365 = arith.constant 0 : i32
      %while3A_366 = arith.subi %select_n3A_363, %while3A_365 : i32
      %while3A_367 = arith.addi %while3A_365, %while3A_366 : i32
      %while3A_368 = arith.constant 1 : i32
      %while3A_369 = arith.divsi %while3A_366, %while3A_368 : i32
      %while3A_370 = arith.muli %while3A_369, %while3A_368 : i32
      %while3A_371 = arith.addi %while3A_365, %while3A_370 : i32
      %while3A_372 = arith.constant 1 : i32
      scf.for %while3A_422 = %while3A_365 to %while3A_371 step %while3A_372  : i32 {
        %mul3A_423 = arith.constant 16 : i32
        %mul3A_424 = arith.muli %while3A_422, %mul3A_423 : i32
        %add3A_425 = vector.broadcast %mul3A_424 : i32 to vector<16xi32>
        %add3A_426 = arith.addi %iota3A, %add3A_425 : vector<16xi32>
        %lt3A_427 = arith.cmpi slt, %add3A_426, %broadcast_in_dim3A_337 : vector<16xi32>
        %get3A = arith.index_cast %mul3A_424 : i32 to index
        %get3A_428 = tpu.vector_load %arg12[%get3A] {strides = array<i32>} : memref<4112xi32, #tpu.memory_space<vmem>>, vector<16xi32>,
        %gather3A = tpu.vector_load_idx %arg16[%get3A_428] masked %lt3A_427 : memref<50176xf32, #tpu.memory_space<vmem>>[vector<16xi32>], vector<16xf32>, vector<16xi1>
        %get3A_429 = arith.index_cast %mul3A_424 : i32 to index
        %get3A_430 = tpu.vector_load %arg13[%get3A_429] {strides = array<i32>} : memref<4112xi32, #tpu.memory_space<vmem>>, vector<16xi32>,
        tpu.vector_store_idx %arg18[%get3A_430], %gather3A masked %lt3A_427 : memref<4096xf32, #tpu.memory_space<vmem>>[vector<16xi32>], vector<16xf32>, vector<16xi1>
      }
      %while3A_373 = arith.constant 1 : i32
      scf.for %while3A_422 = %while3A_371 to %while3A_367 step %while3A_373  : i32 {
        %mul3A_423 = arith.constant 16 : i32
        %mul3A_424 = arith.muli %while3A_422, %mul3A_423 : i32
        %add3A_425 = vector.broadcast %mul3A_424 : i32 to vector<16xi32>
        %add3A_426 = arith.addi %iota3A, %add3A_425 : vector<16xi32>
        %lt3A_427 = arith.cmpi slt, %add3A_426, %broadcast_in_dim3A_337 : vector<16xi32>
        %get3A = arith.index_cast %mul3A_424 : i32 to index
        %get3A_428 = tpu.vector_load %arg12[%get3A] {strides = array<i32>} : memref<4112xi32, #tpu.memory_space<vmem>>, vector<16xi32>,
        %gather3A = tpu.vector_load_idx %arg16[%get3A_428] masked %lt3A_427 : memref<50176xf32, #tpu.memory_space<vmem>>[vector<16xi32>], vector<16xf32>, vector<16xi1>
        %get3A_429 = arith.index_cast %mul3A_424 : i32 to index
        %get3A_430 = tpu.vector_load %arg13[%get3A_429] {strides = array<i32>} : memref<4112xi32, #tpu.memory_space<vmem>>, vector<16xi32>,
        tpu.vector_store_idx %arg18[%get3A_430], %gather3A masked %lt3A_427 : memref<4096xf32, #tpu.memory_space<vmem>>[vector<16xi32>], vector<16xf32>, vector<16xi1>
      }
      %dma_wait3A_374 = arith.constant 0 : i32
      %dma_wait3A_375 = arith.constant 0 : i32
      %dma_wait3A_376 = tpu.memref_slice %arg6[%dma_wait3A_374, %dma_wait3A_375] : memref<69x100000xf32, #tpu.memory_space<hbm>> -> memref<1x100000xf32, #tpu.memory_space<hbm>>
      %dma_wait3A_377 = tpu.memref_squeeze %dma_wait3A_376 : memref<1x100000xf32, #tpu.memory_space<hbm>> -> memref<100000xf32, #tpu.memory_space<hbm>>
      %dma_wait3A_378 = arith.constant 50176 : i32
      %dma_wait3A_379 = tpu.memref_slice %dma_wait3A_377[%dma_wait3A_378] : memref<100000xf32, #tpu.memory_space<hbm>> -> memref<49824xf32, #tpu.memory_space<hbm>>
      %dma_wait3A_380 = arith.constant 0 : i32
      %dma_wait3A_381 = tpu.memref_slice %arg6[%dma_wait3A_374, %dma_wait3A_380] : memref<69x100000xf32, #tpu.memory_space<hbm>> -> memref<1x100000xf32, #tpu.memory_space<hbm>>
      %dma_wait3A_382 = tpu.memref_squeeze %dma_wait3A_381 : memref<1x100000xf32, #tpu.memory_space<hbm>> -> memref<100000xf32, #tpu.memory_space<hbm>>
      %dma_wait3A_383 = arith.constant 50176 : i32
      %dma_wait3A_384 = tpu.memref_slice %dma_wait3A_382[%dma_wait3A_383] : memref<100000xf32, #tpu.memory_space<hbm>> -> memref<49824xf32, #tpu.memory_space<hbm>>
      tpu.wait_dma2 semaphore(%arg22 : memref<!tpu.dma_semaphore, #tpu.memory_space<semaphore_mem>>) src(%dma_wait3A_384 : memref<49824xf32, #tpu.memory_space<hbm>>) dst(%arg17 : memref<49824xf32, #tpu.memory_space<vmem>>)
      %broadcast_in_dim3A_385 = vector.broadcast %scan3A_33#1 : i32 to vector<16xi32>
      %add3A_386 = arith.constant 15 : i32
      %add3A_387 = arith.addi %scan3A_33#1, %add3A_386 : i32
      %jit3A_388 = arith.constant 16 : i32
      %div3A_389 = arith.divsi %add3A_387, %jit3A_388 : i32
      %sign3A_390 = arith.constant 0 : i32
      %sign3A_391 = arith.cmpi sgt, %add3A_387, %sign3A_390 : i32
      %sign3A_392 = arith.extui %sign3A_391 : i1 to i32
      %sign3A_393 = arith.constant 0 : i32
      %sign3A_394 = arith.cmpi slt, %add3A_387, %sign3A_393 : i32
      %sign3A_395 = arith.extui %sign3A_394 : i1 to i32
      %sign3A_396 = arith.subi %sign3A_392, %sign3A_395 : i32
      %sign3A_397 = arith.constant 0 : i32
      %sign3A_398 = arith.cmpi sgt, %jit3A_388, %sign3A_397 : i32
      %sign3A_399 = arith.extui %sign3A_398 : i1 to i32
      %sign3A_400 = arith.constant 0 : i32
      %sign3A_401 = arith.cmpi slt, %jit3A_388, %sign3A_400 : i32
      %sign3A_402 = arith.extui %sign3A_401 : i1 to i32
      %sign3A_403 = arith.subi %sign3A_399, %sign3A_402 : i32
      %ne3A_404 = arith.cmpi ne, %sign3A_396, %sign3A_403 : i32
      %rem3A_405 = arith.remsi %add3A_387, %jit3A_388 : i32
      %ne3A_406 = arith.constant 0 : i32
      %ne3A_407 = arith.cmpi ne, %rem3A_405, %ne3A_406 : i32
      %and3A_408 = arith.andi %ne3A_404, %ne3A_407 : i1
      %sub3A_409 = arith.constant 1 : i32
      %sub3A_410 = arith.subi %div3A_389, %sub3A_409 : i32
      %select_n3A_411 = arith.select %and3A_408, %sub3A_410, %div3A_389 : i32
      %while3A_412 = arith.constant 0 : i32
      %while3A_413 = arith.constant 0 : i32
      %while3A_414 = arith.subi %select_n3A_411, %while3A_413 : i32
      %while3A_415 = arith.addi %while3A_413, %while3A_414 : i32
      %while3A_416 = arith.constant 1 : i32
      %while3A_417 = arith.divsi %while3A_414, %while3A_416 : i32
      %while3A_418 = arith.muli %while3A_417, %while3A_416 : i32
      %while3A_419 = arith.addi %while3A_413, %while3A_418 : i32
      %while3A_420 = arith.constant 1 : i32
      scf.for %while3A_422 = %while3A_413 to %while3A_419 step %while3A_420  : i32 {
        %mul3A_423 = arith.constant 16 : i32
        %mul3A_424 = arith.muli %while3A_422, %mul3A_423 : i32
        %add3A_425 = vector.broadcast %mul3A_424 : i32 to vector<16xi32>
        %add3A_426 = arith.addi %iota3A, %add3A_425 : vector<16xi32>
        %lt3A_427 = arith.cmpi slt, %add3A_426, %broadcast_in_dim3A_385 : vector<16xi32>
        %get3A = arith.index_cast %mul3A_424 : i32 to index
        %get3A_428 = tpu.vector_load %arg14[%get3A] {strides = array<i32>} : memref<4112xi32, #tpu.memory_space<vmem>>, vector<16xi32>,
        %gather3A = tpu.vector_load_idx %arg17[%get3A_428] masked %lt3A_427 : memref<49824xf32, #tpu.memory_space<vmem>>[vector<16xi32>], vector<16xf32>, vector<16xi1>
        %get3A_429 = arith.index_cast %mul3A_424 : i32 to index
        %get3A_430 = tpu.vector_load %arg15[%get3A_429] {strides = array<i32>} : memref<4112xi32, #tpu.memory_space<vmem>>, vector<16xi32>,
        tpu.vector_store_idx %arg18[%get3A_430], %gather3A masked %lt3A_427 : memref<4096xf32, #tpu.memory_space<vmem>>[vector<16xi32>], vector<16xf32>, vector<16xi1>
      }
      %while3A_421 = arith.constant 1 : i32
      scf.for %while3A_422 = %while3A_419 to %while3A_415 step %while3A_421  : i32 {
        %mul3A_423 = arith.constant 16 : i32
        %mul3A_424 = arith.muli %while3A_422, %mul3A_423 : i32
        %add3A_425 = vector.broadcast %mul3A_424 : i32 to vector<16xi32>
        %add3A_426 = arith.addi %iota3A, %add3A_425 : vector<16xi32>
        %lt3A_427 = arith.cmpi slt, %add3A_426, %broadcast_in_dim3A_385 : vector<16xi32>
        %get3A = arith.index_cast %mul3A_424 : i32 to index
        %get3A_428 = tpu.vector_load %arg14[%get3A] {strides = array<i32>} : memref<4112xi32, #tpu.memory_space<vmem>>, vector<16xi32>,
        %gather3A = tpu.vector_load_idx %arg17[%get3A_428] masked %lt3A_427 : memref<49824xf32, #tpu.memory_space<vmem>>[vector<16xi32>], vector<16xf32>, vector<16xi1>
        %get3A_429 = arith.index_cast %mul3A_424 : i32 to index
        %get3A_430 = tpu.vector_load %arg15[%get3A_429] {strides = array<i32>} : memref<4112xi32, #tpu.memory_space<vmem>>, vector<16xi32>,
        tpu.vector_store_idx %arg18[%get3A_430], %gather3A masked %lt3A_427 : memref<4096xf32, #tpu.memory_space<vmem>>[vector<16xi32>], vector<16xf32>, vector<16xi1>
      }
      "tpu.region"() ({
        %run_scoped3A_422 = tpu.sem_alloc : memref<!tpu.dma_semaphore, #tpu.memory_space<semaphore_mem>>
        %dma_start3A_423 = arith.constant 0 : i32
        %dma_start3A_424 = tpu.memref_slice %arg10[%add3A_8, %dma_start3A_423] : memref<69x4096xf32, #tpu.memory_space<hbm>> -> memref<1x4096xf32, #tpu.memory_space<hbm>>
        %dma_start3A_425 = tpu.memref_squeeze %dma_start3A_424 : memref<1x4096xf32, #tpu.memory_space<hbm>> -> memref<4096xf32, #tpu.memory_space<hbm>>
        %dma_start3A_426 = arith.constant 0 : i32
        %dma_start3A_427 = tpu.memref_slice %arg10[%add3A_8, %dma_start3A_426] : memref<69x4096xf32, #tpu.memory_space<hbm>> -> memref<1x4096xf32, #tpu.memory_space<hbm>>
        %dma_start3A_428 = tpu.memref_squeeze %dma_start3A_427 : memref<1x4096xf32, #tpu.memory_space<hbm>> -> memref<4096xf32, #tpu.memory_space<hbm>>
        tpu.enqueue_dma source(%arg18 : memref<4096xf32, #tpu.memory_space<vmem>>) target(%dma_start3A_428 : memref<4096xf32, #tpu.memory_space<hbm>>) target_semaphore(%run_scoped3A_422 : memref<!tpu.dma_semaphore, #tpu.memory_space<semaphore_mem>>)
        %dma_wait3A_429 = arith.constant 0 : i32
        %dma_wait3A_430 = tpu.memref_slice %arg10[%add3A_8, %dma_wait3A_429] : memref<69x4096xf32, #tpu.memory_space<hbm>> -> memref<1x4096xf32, #tpu.memory_space<hbm>>
        %dma_wait3A_431 = tpu.memref_squeeze %dma_wait3A_430 : memref<1x4096xf32, #tpu.memory_space<hbm>> -> memref<4096xf32, #tpu.memory_space<hbm>>
        %dma_wait3A_432 = arith.constant 0 : i32
        %dma_wait3A_433 = tpu.memref_slice %arg10[%add3A_8, %dma_wait3A_432] : memref<69x4096xf32, #tpu.memory_space<hbm>> -> memref<1x4096xf32, #tpu.memory_space<hbm>>
        %dma_wait3A_434 = tpu.memref_squeeze %dma_wait3A_433 : memref<1x4096xf32, #tpu.memory_space<hbm>> -> memref<4096xf32, #tpu.memory_space<hbm>>
        tpu.wait_dma2 semaphore(%run_scoped3A_422 : memref<!tpu.dma_semaphore, #tpu.memory_space<semaphore_mem>>) src(%arg18 : memref<4096xf32, #tpu.memory_space<vmem>>) dst(%dma_wait3A_434 : memref<4096xf32, #tpu.memory_space<hbm>>)
        tpu.yield
      }) : () -> ()
    } else {
    }
    %ge3A_302 = arith.constant 69 : i32
    %ge3A_303 = arith.cmpi sge, %add3A_8, %ge3A_302 : i32
    %lt3A_304 = arith.constant 72 : i32
    %lt3A_305 = arith.cmpi slt, %add3A_8, %lt3A_304 : i32
    %and3A_306 = arith.andi %ge3A_303, %lt3A_305 : i1
    %convert_element_type3A_307 = arith.extui %and3A_306 : i1 to i32
    %cond3A_308 = arith.constant 0 : i32
    %cond3A_309 = arith.cmpi ne, %convert_element_type3A_307, %cond3A_308 : i32
    scf.if %cond3A_309 {
      %sub3A_326 = arith.constant 69 : i32
      %sub3A_327 = arith.subi %add3A_8, %sub3A_326 : i32
      %dma_wait3A_328 = arith.constant 0 : i32
      %dma_wait3A_329 = arith.constant 0 : i32
      %dma_wait3A_330 = tpu.memref_slice %arg6[%dma_wait3A_328, %dma_wait3A_329] : memref<69x100000xf32, #tpu.memory_space<hbm>> -> memref<1x100000xf32, #tpu.memory_space<hbm>>
      %dma_wait3A_331 = tpu.memref_squeeze %dma_wait3A_330 : memref<1x100000xf32, #tpu.memory_space<hbm>> -> memref<100000xf32, #tpu.memory_space<hbm>>
      %dma_wait3A_332 = arith.constant 0 : i32
      %dma_wait3A_333 = tpu.memref_slice %dma_wait3A_331[%dma_wait3A_332] : memref<100000xf32, #tpu.memory_space<hbm>> -> memref<50176xf32, #tpu.memory_space<hbm>>
      %dma_wait3A_334 = arith.constant 0 : i32
      %dma_wait3A_335 = tpu.memref_slice %arg6[%dma_wait3A_328, %dma_wait3A_334] : memref<69x100000xf32, #tpu.memory_space<hbm>> -> memref<1x100000xf32, #tpu.memory_space<hbm>>
      %dma_wait3A_336 = tpu.memref_squeeze %dma_wait3A_335 : memref<1x100000xf32, #tpu.memory_space<hbm>> -> memref<100000xf32, #tpu.memory_space<hbm>>
      %dma_wait3A_337 = arith.constant 0 : i32
      %dma_wait3A_338 = tpu.memref_slice %dma_wait3A_336[%dma_wait3A_337] : memref<100000xf32, #tpu.memory_space<hbm>> -> memref<50176xf32, #tpu.memory_space<hbm>>
      tpu.wait_dma2 semaphore(%arg21 : memref<!tpu.dma_semaphore, #tpu.memory_space<semaphore_mem>>) src(%dma_wait3A_338 : memref<50176xf32, #tpu.memory_space<hbm>>) dst(%arg16 : memref<50176xf32, #tpu.memory_space<vmem>>)
      %broadcast_in_dim3A_339 = vector.broadcast %scan3A_33#0 : i32 to vector<16xi32>
      %add3A_340 = arith.constant 15 : i32
      %add3A_341 = arith.addi %scan3A_33#0, %add3A_340 : i32
      %jit3A_342 = arith.constant 16 : i32
      %div3A_343 = arith.divsi %add3A_341, %jit3A_342 : i32
      %sign3A_344 = arith.constant 0 : i32
      %sign3A_345 = arith.cmpi sgt, %add3A_341, %sign3A_344 : i32
      %sign3A_346 = arith.extui %sign3A_345 : i1 to i32
      %sign3A_347 = arith.constant 0 : i32
      %sign3A_348 = arith.cmpi slt, %add3A_341, %sign3A_347 : i32
      %sign3A_349 = arith.extui %sign3A_348 : i1 to i32
      %sign3A_350 = arith.subi %sign3A_346, %sign3A_349 : i32
      %sign3A_351 = arith.constant 0 : i32
      %sign3A_352 = arith.cmpi sgt, %jit3A_342, %sign3A_351 : i32
      %sign3A_353 = arith.extui %sign3A_352 : i1 to i32
      %sign3A_354 = arith.constant 0 : i32
      %sign3A_355 = arith.cmpi slt, %jit3A_342, %sign3A_354 : i32
      %sign3A_356 = arith.extui %sign3A_355 : i1 to i32
      %sign3A_357 = arith.subi %sign3A_353, %sign3A_356 : i32
      %ne3A_358 = arith.cmpi ne, %sign3A_350, %sign3A_357 : i32
      %rem3A_359 = arith.remsi %add3A_341, %jit3A_342 : i32
      %ne3A_360 = arith.constant 0 : i32
      %ne3A_361 = arith.cmpi ne, %rem3A_359, %ne3A_360 : i32
      %and3A_362 = arith.andi %ne3A_358, %ne3A_361 : i1
      %sub3A_363 = arith.constant 1 : i32
      %sub3A_364 = arith.subi %div3A_343, %sub3A_363 : i32
      %select_n3A_365 = arith.select %and3A_362, %sub3A_364, %div3A_343 : i32
      %while3A_366 = arith.constant 0 : i32
      %while3A_367 = arith.constant 0 : i32
      %while3A_368 = arith.subi %select_n3A_365, %while3A_367 : i32
      %while3A_369 = arith.addi %while3A_367, %while3A_368 : i32
      %while3A_370 = arith.constant 1 : i32
      %while3A_371 = arith.divsi %while3A_368, %while3A_370 : i32
      %while3A_372 = arith.muli %while3A_371, %while3A_370 : i32
      %while3A_373 = arith.addi %while3A_367, %while3A_372 : i32
      %while3A_374 = arith.constant 1 : i32
      scf.for %while3A_424 = %while3A_367 to %while3A_373 step %while3A_374  : i32 {
        %mul3A_425 = arith.constant 16 : i32
        %mul3A_426 = arith.muli %while3A_424, %mul3A_425 : i32
        %add3A_427 = vector.broadcast %mul3A_426 : i32 to vector<16xi32>
        %add3A_428 = arith.addi %iota3A, %add3A_427 : vector<16xi32>
        %lt3A_429 = arith.cmpi slt, %add3A_428, %broadcast_in_dim3A_339 : vector<16xi32>
        %get3A = arith.index_cast %mul3A_426 : i32 to index
        %get3A_430 = tpu.vector_load %arg12[%get3A] {strides = array<i32>} : memref<4112xi32, #tpu.memory_space<vmem>>, vector<16xi32>,
        %gather3A = tpu.vector_load_idx %arg16[%get3A_430] masked %lt3A_429 : memref<50176xf32, #tpu.memory_space<vmem>>[vector<16xi32>], vector<16xf32>, vector<16xi1>
        %get3A_431 = arith.index_cast %mul3A_426 : i32 to index
        %get3A_432 = tpu.vector_load %arg13[%get3A_431] {strides = array<i32>} : memref<4112xi32, #tpu.memory_space<vmem>>, vector<16xi32>,
        tpu.vector_store_idx %arg18[%get3A_432], %gather3A masked %lt3A_429 : memref<4096xf32, #tpu.memory_space<vmem>>[vector<16xi32>], vector<16xf32>, vector<16xi1>
      }
      %while3A_375 = arith.constant 1 : i32
      scf.for %while3A_424 = %while3A_373 to %while3A_369 step %while3A_375  : i32 {
        %mul3A_425 = arith.constant 16 : i32
        %mul3A_426 = arith.muli %while3A_424, %mul3A_425 : i32
        %add3A_427 = vector.broadcast %mul3A_426 : i32 to vector<16xi32>
        %add3A_428 = arith.addi %iota3A, %add3A_427 : vector<16xi32>
        %lt3A_429 = arith.cmpi slt, %add3A_428, %broadcast_in_dim3A_339 : vector<16xi32>
        %get3A = arith.index_cast %mul3A_426 : i32 to index
        %get3A_430 = tpu.vector_load %arg12[%get3A] {strides = array<i32>} : memref<4112xi32, #tpu.memory_space<vmem>>, vector<16xi32>,
        %gather3A = tpu.vector_load_idx %arg16[%get3A_430] masked %lt3A_429 : memref<50176xf32, #tpu.memory_space<vmem>>[vector<16xi32>], vector<16xf32>, vector<16xi1>
        %get3A_431 = arith.index_cast %mul3A_426 : i32 to index
        %get3A_432 = tpu.vector_load %arg13[%get3A_431] {strides = array<i32>} : memref<4112xi32, #tpu.memory_space<vmem>>, vector<16xi32>,
        tpu.vector_store_idx %arg18[%get3A_432], %gather3A masked %lt3A_429 : memref<4096xf32, #tpu.memory_space<vmem>>[vector<16xi32>], vector<16xf32>, vector<16xi1>
      }
      %dma_wait3A_376 = arith.constant 0 : i32
      %dma_wait3A_377 = arith.constant 0 : i32
      %dma_wait3A_378 = tpu.memref_slice %arg6[%dma_wait3A_376, %dma_wait3A_377] : memref<69x100000xf32, #tpu.memory_space<hbm>> -> memref<1x100000xf32, #tpu.memory_space<hbm>>
      %dma_wait3A_379 = tpu.memref_squeeze %dma_wait3A_378 : memref<1x100000xf32, #tpu.memory_space<hbm>> -> memref<100000xf32, #tpu.memory_space<hbm>>
      %dma_wait3A_380 = arith.constant 50176 : i32
      %dma_wait3A_381 = tpu.memref_slice %dma_wait3A_379[%dma_wait3A_380] : memref<100000xf32, #tpu.memory_space<hbm>> -> memref<49824xf32, #tpu.memory_space<hbm>>
      %dma_wait3A_382 = arith.constant 0 : i32
      %dma_wait3A_383 = tpu.memref_slice %arg6[%dma_wait3A_376, %dma_wait3A_382] : memref<69x100000xf32, #tpu.memory_space<hbm>> -> memref<1x100000xf32, #tpu.memory_space<hbm>>
      %dma_wait3A_384 = tpu.memref_squeeze %dma_wait3A_383 : memref<1x100000xf32, #tpu.memory_space<hbm>> -> memref<100000xf32, #tpu.memory_space<hbm>>
      %dma_wait3A_385 = arith.constant 50176 : i32
      %dma_wait3A_386 = tpu.memref_slice %dma_wait3A_384[%dma_wait3A_385] : memref<100000xf32, #tpu.memory_space<hbm>> -> memref<49824xf32, #tpu.memory_space<hbm>>
      tpu.wait_dma2 semaphore(%arg22 : memref<!tpu.dma_semaphore, #tpu.memory_space<semaphore_mem>>) src(%dma_wait3A_386 : memref<49824xf32, #tpu.memory_space<hbm>>) dst(%arg17 : memref<49824xf32, #tpu.memory_space<vmem>>)
      %broadcast_in_dim3A_387 = vector.broadcast %scan3A_33#1 : i32 to vector<16xi32>
      %add3A_388 = arith.constant 15 : i32
      %add3A_389 = arith.addi %scan3A_33#1, %add3A_388 : i32
      %jit3A_390 = arith.constant 16 : i32
      %div3A_391 = arith.divsi %add3A_389, %jit3A_390 : i32
      %sign3A_392 = arith.constant 0 : i32
      %sign3A_393 = arith.cmpi sgt, %add3A_389, %sign3A_392 : i32
      %sign3A_394 = arith.extui %sign3A_393 : i1 to i32
      %sign3A_395 = arith.constant 0 : i32
      %sign3A_396 = arith.cmpi slt, %add3A_389, %sign3A_395 : i32
      %sign3A_397 = arith.extui %sign3A_396 : i1 to i32
      %sign3A_398 = arith.subi %sign3A_394, %sign3A_397 : i32
      %sign3A_399 = arith.constant 0 : i32
      %sign3A_400 = arith.cmpi sgt, %jit3A_390, %sign3A_399 : i32
      %sign3A_401 = arith.extui %sign3A_400 : i1 to i32
      %sign3A_402 = arith.constant 0 : i32
      %sign3A_403 = arith.cmpi slt, %jit3A_390, %sign3A_402 : i32
      %sign3A_404 = arith.extui %sign3A_403 : i1 to i32
      %sign3A_405 = arith.subi %sign3A_401, %sign3A_404 : i32
      %ne3A_406 = arith.cmpi ne, %sign3A_398, %sign3A_405 : i32
      %rem3A_407 = arith.remsi %add3A_389, %jit3A_390 : i32
      %ne3A_408 = arith.constant 0 : i32
      %ne3A_409 = arith.cmpi ne, %rem3A_407, %ne3A_408 : i32
      %and3A_410 = arith.andi %ne3A_406, %ne3A_409 : i1
      %sub3A_411 = arith.constant 1 : i32
      %sub3A_412 = arith.subi %div3A_391, %sub3A_411 : i32
      %select_n3A_413 = arith.select %and3A_410, %sub3A_412, %div3A_391 : i32
      %while3A_414 = arith.constant 0 : i32
      %while3A_415 = arith.constant 0 : i32
      %while3A_416 = arith.subi %select_n3A_413, %while3A_415 : i32
      %while3A_417 = arith.addi %while3A_415, %while3A_416 : i32
      %while3A_418 = arith.constant 1 : i32
      %while3A_419 = arith.divsi %while3A_416, %while3A_418 : i32
      %while3A_420 = arith.muli %while3A_419, %while3A_418 : i32
      %while3A_421 = arith.addi %while3A_415, %while3A_420 : i32
      %while3A_422 = arith.constant 1 : i32
      scf.for %while3A_424 = %while3A_415 to %while3A_421 step %while3A_422  : i32 {
        %mul3A_425 = arith.constant 16 : i32
        %mul3A_426 = arith.muli %while3A_424, %mul3A_425 : i32
        %add3A_427 = vector.broadcast %mul3A_426 : i32 to vector<16xi32>
        %add3A_428 = arith.addi %iota3A, %add3A_427 : vector<16xi32>
        %lt3A_429 = arith.cmpi slt, %add3A_428, %broadcast_in_dim3A_387 : vector<16xi32>
        %get3A = arith.index_cast %mul3A_426 : i32 to index
        %get3A_430 = tpu.vector_load %arg14[%get3A] {strides = array<i32>} : memref<4112xi32, #tpu.memory_space<vmem>>, vector<16xi32>,
        %gather3A = tpu.vector_load_idx %arg17[%get3A_430] masked %lt3A_429 : memref<49824xf32, #tpu.memory_space<vmem>>[vector<16xi32>], vector<16xf32>, vector<16xi1>
        %get3A_431 = arith.index_cast %mul3A_426 : i32 to index
        %get3A_432 = tpu.vector_load %arg15[%get3A_431] {strides = array<i32>} : memref<4112xi32, #tpu.memory_space<vmem>>, vector<16xi32>,
        tpu.vector_store_idx %arg18[%get3A_432], %gather3A masked %lt3A_429 : memref<4096xf32, #tpu.memory_space<vmem>>[vector<16xi32>], vector<16xf32>, vector<16xi1>
      }
      %while3A_423 = arith.constant 1 : i32
      scf.for %while3A_424 = %while3A_421 to %while3A_417 step %while3A_423  : i32 {
        %mul3A_425 = arith.constant 16 : i32
        %mul3A_426 = arith.muli %while3A_424, %mul3A_425 : i32
        %add3A_427 = vector.broadcast %mul3A_426 : i32 to vector<16xi32>
        %add3A_428 = arith.addi %iota3A, %add3A_427 : vector<16xi32>
        %lt3A_429 = arith.cmpi slt, %add3A_428, %broadcast_in_dim3A_387 : vector<16xi32>
        %get3A = arith.index_cast %mul3A_426 : i32 to index
        %get3A_430 = tpu.vector_load %arg14[%get3A] {strides = array<i32>} : memref<4112xi32, #tpu.memory_space<vmem>>, vector<16xi32>,
        %gather3A = tpu.vector_load_idx %arg17[%get3A_430] masked %lt3A_429 : memref<49824xf32, #tpu.memory_space<vmem>>[vector<16xi32>], vector<16xf32>, vector<16xi1>
        %get3A_431 = arith.index_cast %mul3A_426 : i32 to index
        %get3A_432 = tpu.vector_load %arg15[%get3A_431] {strides = array<i32>} : memref<4112xi32, #tpu.memory_space<vmem>>, vector<16xi32>,
        tpu.vector_store_idx %arg18[%get3A_432], %gather3A masked %lt3A_429 : memref<4096xf32, #tpu.memory_space<vmem>>[vector<16xi32>], vector<16xf32>, vector<16xi1>
      }
      "tpu.region"() ({
        %run_scoped3A_424 = tpu.sem_alloc : memref<!tpu.dma_semaphore, #tpu.memory_space<semaphore_mem>>
        %dma_start3A_425 = arith.constant 0 : i32
        %dma_start3A_426 = tpu.memref_slice %arg8[%sub3A_327, %dma_start3A_425] : memref<3x4096xf32, #tpu.memory_space<hbm>> -> memref<1x4096xf32, #tpu.memory_space<hbm>>
        %dma_start3A_427 = tpu.memref_squeeze %dma_start3A_426 : memref<1x4096xf32, #tpu.memory_space<hbm>> -> memref<4096xf32, #tpu.memory_space<hbm>>
        %dma_start3A_428 = arith.constant 0 : i32
        %dma_start3A_429 = tpu.memref_slice %arg8[%sub3A_327, %dma_start3A_428] : memref<3x4096xf32, #tpu.memory_space<hbm>> -> memref<1x4096xf32, #tpu.memory_space<hbm>>
        %dma_start3A_430 = tpu.memref_squeeze %dma_start3A_429 : memref<1x4096xf32, #tpu.memory_space<hbm>> -> memref<4096xf32, #tpu.memory_space<hbm>>
        tpu.enqueue_dma source(%arg18 : memref<4096xf32, #tpu.memory_space<vmem>>) target(%dma_start3A_430 : memref<4096xf32, #tpu.memory_space<hbm>>) target_semaphore(%run_scoped3A_424 : memref<!tpu.dma_semaphore, #tpu.memory_space<semaphore_mem>>)
        %dma_wait3A_431 = arith.constant 0 : i32
        %dma_wait3A_432 = tpu.memref_slice %arg8[%sub3A_327, %dma_wait3A_431] : memref<3x4096xf32, #tpu.memory_space<hbm>> -> memref<1x4096xf32, #tpu.memory_space<hbm>>
        %dma_wait3A_433 = tpu.memref_squeeze %dma_wait3A_432 : memref<1x4096xf32, #tpu.memory_space<hbm>> -> memref<4096xf32, #tpu.memory_space<hbm>>
        %dma_wait3A_434 = arith.constant 0 : i32
        %dma_wait3A_435 = tpu.memref_slice %arg8[%sub3A_327, %dma_wait3A_434] : memref<3x4096xf32, #tpu.memory_space<hbm>> -> memref<1x4096xf32, #tpu.memory_space<hbm>>
        %dma_wait3A_436 = tpu.memref_squeeze %dma_wait3A_435 : memref<1x4096xf32, #tpu.memory_space<hbm>> -> memref<4096xf32, #tpu.memory_space<hbm>>
        tpu.wait_dma2 semaphore(%run_scoped3A_424 : memref<!tpu.dma_semaphore, #tpu.memory_space<semaphore_mem>>) src(%arg18 : memref<4096xf32, #tpu.memory_space<vmem>>) dst(%dma_wait3A_436 : memref<4096xf32, #tpu.memory_space<hbm>>)
        tpu.yield
      }) : () -> ()
    } else {
    }
    %ge3A_310 = arith.constant 72 : i32
    %ge3A_311 = arith.cmpi sge, %add3A_8, %ge3A_310 : i32
    %lt3A_312 = arith.constant 75 : i32
    %lt3A_313 = arith.cmpi slt, %add3A_8, %lt3A_312 : i32
    %and3A_314 = arith.andi %ge3A_311, %lt3A_313 : i1
    %convert_element_type3A_315 = arith.extui %and3A_314 : i1 to i32
    %cond3A_316 = arith.constant 0 : i32
    %cond3A_317 = arith.cmpi ne, %convert_element_type3A_315, %cond3A_316 : i32
    scf.if %cond3A_317 {
      %sub3A_326 = arith.constant 72 : i32
      %sub3A_327 = arith.subi %add3A_8, %sub3A_326 : i32
      %dma_wait3A_328 = arith.constant 0 : i32
      %dma_wait3A_329 = arith.constant 0 : i32
      %dma_wait3A_330 = tpu.memref_slice %arg6[%dma_wait3A_328, %dma_wait3A_329] : memref<69x100000xf32, #tpu.memory_space<hbm>> -> memref<1x100000xf32, #tpu.memory_space<hbm>>
      %dma_wait3A_331 = tpu.memref_squeeze %dma_wait3A_330 : memref<1x100000xf32, #tpu.memory_space<hbm>> -> memref<100000xf32, #tpu.memory_space<hbm>>
      %dma_wait3A_332 = arith.constant 0 : i32
      %dma_wait3A_333 = tpu.memref_slice %dma_wait3A_331[%dma_wait3A_332] : memref<100000xf32, #tpu.memory_space<hbm>> -> memref<50176xf32, #tpu.memory_space<hbm>>
      %dma_wait3A_334 = arith.constant 0 : i32
      %dma_wait3A_335 = tpu.memref_slice %arg6[%dma_wait3A_328, %dma_wait3A_334] : memref<69x100000xf32, #tpu.memory_space<hbm>> -> memref<1x100000xf32, #tpu.memory_space<hbm>>
      %dma_wait3A_336 = tpu.memref_squeeze %dma_wait3A_335 : memref<1x100000xf32, #tpu.memory_space<hbm>> -> memref<100000xf32, #tpu.memory_space<hbm>>
      %dma_wait3A_337 = arith.constant 0 : i32
      %dma_wait3A_338 = tpu.memref_slice %dma_wait3A_336[%dma_wait3A_337] : memref<100000xf32, #tpu.memory_space<hbm>> -> memref<50176xf32, #tpu.memory_space<hbm>>
      tpu.wait_dma2 semaphore(%arg21 : memref<!tpu.dma_semaphore, #tpu.memory_space<semaphore_mem>>) src(%dma_wait3A_338 : memref<50176xf32, #tpu.memory_space<hbm>>) dst(%arg16 : memref<50176xf32, #tpu.memory_space<vmem>>)
      %broadcast_in_dim3A_339 = vector.broadcast %scan3A_33#0 : i32 to vector<16xi32>
      %add3A_340 = arith.constant 15 : i32
      %add3A_341 = arith.addi %scan3A_33#0, %add3A_340 : i32
      %jit3A_342 = arith.constant 16 : i32
      %div3A_343 = arith.divsi %add3A_341, %jit3A_342 : i32
      %sign3A_344 = arith.constant 0 : i32
      %sign3A_345 = arith.cmpi sgt, %add3A_341, %sign3A_344 : i32
      %sign3A_346 = arith.extui %sign3A_345 : i1 to i32
      %sign3A_347 = arith.constant 0 : i32
      %sign3A_348 = arith.cmpi slt, %add3A_341, %sign3A_347 : i32
      %sign3A_349 = arith.extui %sign3A_348 : i1 to i32
      %sign3A_350 = arith.subi %sign3A_346, %sign3A_349 : i32
      %sign3A_351 = arith.constant 0 : i32
      %sign3A_352 = arith.cmpi sgt, %jit3A_342, %sign3A_351 : i32
      %sign3A_353 = arith.extui %sign3A_352 : i1 to i32
      %sign3A_354 = arith.constant 0 : i32
      %sign3A_355 = arith.cmpi slt, %jit3A_342, %sign3A_354 : i32
      %sign3A_356 = arith.extui %sign3A_355 : i1 to i32
      %sign3A_357 = arith.subi %sign3A_353, %sign3A_356 : i32
      %ne3A_358 = arith.cmpi ne, %sign3A_350, %sign3A_357 : i32
      %rem3A_359 = arith.remsi %add3A_341, %jit3A_342 : i32
      %ne3A_360 = arith.constant 0 : i32
      %ne3A_361 = arith.cmpi ne, %rem3A_359, %ne3A_360 : i32
      %and3A_362 = arith.andi %ne3A_358, %ne3A_361 : i1
      %sub3A_363 = arith.constant 1 : i32
      %sub3A_364 = arith.subi %div3A_343, %sub3A_363 : i32
      %select_n3A_365 = arith.select %and3A_362, %sub3A_364, %div3A_343 : i32
      %while3A_366 = arith.constant 0 : i32
      %while3A_367 = arith.constant 0 : i32
      %while3A_368 = arith.subi %select_n3A_365, %while3A_367 : i32
      %while3A_369 = arith.addi %while3A_367, %while3A_368 : i32
      %while3A_370 = arith.constant 1 : i32
      %while3A_371 = arith.divsi %while3A_368, %while3A_370 : i32
      %while3A_372 = arith.muli %while3A_371, %while3A_370 : i32
      %while3A_373 = arith.addi %while3A_367, %while3A_372 : i32
      %while3A_374 = arith.constant 1 : i32
      scf.for %while3A_424 = %while3A_367 to %while3A_373 step %while3A_374  : i32 {
        %mul3A_425 = arith.constant 16 : i32
        %mul3A_426 = arith.muli %while3A_424, %mul3A_425 : i32
        %add3A_427 = vector.broadcast %mul3A_426 : i32 to vector<16xi32>
        %add3A_428 = arith.addi %iota3A, %add3A_427 : vector<16xi32>
        %lt3A_429 = arith.cmpi slt, %add3A_428, %broadcast_in_dim3A_339 : vector<16xi32>
        %get3A = arith.index_cast %mul3A_426 : i32 to index
        %get3A_430 = tpu.vector_load %arg12[%get3A] {strides = array<i32>} : memref<4112xi32, #tpu.memory_space<vmem>>, vector<16xi32>,
        %gather3A = tpu.vector_load_idx %arg16[%get3A_430] masked %lt3A_429 : memref<50176xf32, #tpu.memory_space<vmem>>[vector<16xi32>], vector<16xf32>, vector<16xi1>
        %get3A_431 = arith.index_cast %mul3A_426 : i32 to index
        %get3A_432 = tpu.vector_load %arg13[%get3A_431] {strides = array<i32>} : memref<4112xi32, #tpu.memory_space<vmem>>, vector<16xi32>,
        tpu.vector_store_idx %arg18[%get3A_432], %gather3A masked %lt3A_429 : memref<4096xf32, #tpu.memory_space<vmem>>[vector<16xi32>], vector<16xf32>, vector<16xi1>
      }
      %while3A_375 = arith.constant 1 : i32
      scf.for %while3A_424 = %while3A_373 to %while3A_369 step %while3A_375  : i32 {
        %mul3A_425 = arith.constant 16 : i32
        %mul3A_426 = arith.muli %while3A_424, %mul3A_425 : i32
        %add3A_427 = vector.broadcast %mul3A_426 : i32 to vector<16xi32>
        %add3A_428 = arith.addi %iota3A, %add3A_427 : vector<16xi32>
        %lt3A_429 = arith.cmpi slt, %add3A_428, %broadcast_in_dim3A_339 : vector<16xi32>
        %get3A = arith.index_cast %mul3A_426 : i32 to index
        %get3A_430 = tpu.vector_load %arg12[%get3A] {strides = array<i32>} : memref<4112xi32, #tpu.memory_space<vmem>>, vector<16xi32>,
        %gather3A = tpu.vector_load_idx %arg16[%get3A_430] masked %lt3A_429 : memref<50176xf32, #tpu.memory_space<vmem>>[vector<16xi32>], vector<16xf32>, vector<16xi1>
        %get3A_431 = arith.index_cast %mul3A_426 : i32 to index
        %get3A_432 = tpu.vector_load %arg13[%get3A_431] {strides = array<i32>} : memref<4112xi32, #tpu.memory_space<vmem>>, vector<16xi32>,
        tpu.vector_store_idx %arg18[%get3A_432], %gather3A masked %lt3A_429 : memref<4096xf32, #tpu.memory_space<vmem>>[vector<16xi32>], vector<16xf32>, vector<16xi1>
      }
      %dma_wait3A_376 = arith.constant 0 : i32
      %dma_wait3A_377 = arith.constant 0 : i32
      %dma_wait3A_378 = tpu.memref_slice %arg6[%dma_wait3A_376, %dma_wait3A_377] : memref<69x100000xf32, #tpu.memory_space<hbm>> -> memref<1x100000xf32, #tpu.memory_space<hbm>>
      %dma_wait3A_379 = tpu.memref_squeeze %dma_wait3A_378 : memref<1x100000xf32, #tpu.memory_space<hbm>> -> memref<100000xf32, #tpu.memory_space<hbm>>
      %dma_wait3A_380 = arith.constant 50176 : i32
      %dma_wait3A_381 = tpu.memref_slice %dma_wait3A_379[%dma_wait3A_380] : memref<100000xf32, #tpu.memory_space<hbm>> -> memref<49824xf32, #tpu.memory_space<hbm>>
      %dma_wait3A_382 = arith.constant 0 : i32
      %dma_wait3A_383 = tpu.memref_slice %arg6[%dma_wait3A_376, %dma_wait3A_382] : memref<69x100000xf32, #tpu.memory_space<hbm>> -> memref<1x100000xf32, #tpu.memory_space<hbm>>
      %dma_wait3A_384 = tpu.memref_squeeze %dma_wait3A_383 : memref<1x100000xf32, #tpu.memory_space<hbm>> -> memref<100000xf32, #tpu.memory_space<hbm>>
      %dma_wait3A_385 = arith.constant 50176 : i32
      %dma_wait3A_386 = tpu.memref_slice %dma_wait3A_384[%dma_wait3A_385] : memref<100000xf32, #tpu.memory_space<hbm>> -> memref<49824xf32, #tpu.memory_space<hbm>>
      tpu.wait_dma2 semaphore(%arg22 : memref<!tpu.dma_semaphore, #tpu.memory_space<semaphore_mem>>) src(%dma_wait3A_386 : memref<49824xf32, #tpu.memory_space<hbm>>) dst(%arg17 : memref<49824xf32, #tpu.memory_space<vmem>>)
      %broadcast_in_dim3A_387 = vector.broadcast %scan3A_33#1 : i32 to vector<16xi32>
      %add3A_388 = arith.constant 15 : i32
      %add3A_389 = arith.addi %scan3A_33#1, %add3A_388 : i32
      %jit3A_390 = arith.constant 16 : i32
      %div3A_391 = arith.divsi %add3A_389, %jit3A_390 : i32
      %sign3A_392 = arith.constant 0 : i32
      %sign3A_393 = arith.cmpi sgt, %add3A_389, %sign3A_392 : i32
      %sign3A_394 = arith.extui %sign3A_393 : i1 to i32
      %sign3A_395 = arith.constant 0 : i32
      %sign3A_396 = arith.cmpi slt, %add3A_389, %sign3A_395 : i32
      %sign3A_397 = arith.extui %sign3A_396 : i1 to i32
      %sign3A_398 = arith.subi %sign3A_394, %sign3A_397 : i32
      %sign3A_399 = arith.constant 0 : i32
      %sign3A_400 = arith.cmpi sgt, %jit3A_390, %sign3A_399 : i32
      %sign3A_401 = arith.extui %sign3A_400 : i1 to i32
      %sign3A_402 = arith.constant 0 : i32
      %sign3A_403 = arith.cmpi slt, %jit3A_390, %sign3A_402 : i32
      %sign3A_404 = arith.extui %sign3A_403 : i1 to i32
      %sign3A_405 = arith.subi %sign3A_401, %sign3A_404 : i32
      %ne3A_406 = arith.cmpi ne, %sign3A_398, %sign3A_405 : i32
      %rem3A_407 = arith.remsi %add3A_389, %jit3A_390 : i32
      %ne3A_408 = arith.constant 0 : i32
      %ne3A_409 = arith.cmpi ne, %rem3A_407, %ne3A_408 : i32
      %and3A_410 = arith.andi %ne3A_406, %ne3A_409 : i1
      %sub3A_411 = arith.constant 1 : i32
      %sub3A_412 = arith.subi %div3A_391, %sub3A_411 : i32
      %select_n3A_413 = arith.select %and3A_410, %sub3A_412, %div3A_391 : i32
      %while3A_414 = arith.constant 0 : i32
      %while3A_415 = arith.constant 0 : i32
      %while3A_416 = arith.subi %select_n3A_413, %while3A_415 : i32
      %while3A_417 = arith.addi %while3A_415, %while3A_416 : i32
      %while3A_418 = arith.constant 1 : i32
      %while3A_419 = arith.divsi %while3A_416, %while3A_418 : i32
      %while3A_420 = arith.muli %while3A_419, %while3A_418 : i32
      %while3A_421 = arith.addi %while3A_415, %while3A_420 : i32
      %while3A_422 = arith.constant 1 : i32
      scf.for %while3A_424 = %while3A_415 to %while3A_421 step %while3A_422  : i32 {
        %mul3A_425 = arith.constant 16 : i32
        %mul3A_426 = arith.muli %while3A_424, %mul3A_425 : i32
        %add3A_427 = vector.broadcast %mul3A_426 : i32 to vector<16xi32>
        %add3A_428 = arith.addi %iota3A, %add3A_427 : vector<16xi32>
        %lt3A_429 = arith.cmpi slt, %add3A_428, %broadcast_in_dim3A_387 : vector<16xi32>
        %get3A = arith.index_cast %mul3A_426 : i32 to index
        %get3A_430 = tpu.vector_load %arg14[%get3A] {strides = array<i32>} : memref<4112xi32, #tpu.memory_space<vmem>>, vector<16xi32>,
        %gather3A = tpu.vector_load_idx %arg17[%get3A_430] masked %lt3A_429 : memref<49824xf32, #tpu.memory_space<vmem>>[vector<16xi32>], vector<16xf32>, vector<16xi1>
        %get3A_431 = arith.index_cast %mul3A_426 : i32 to index
        %get3A_432 = tpu.vector_load %arg15[%get3A_431] {strides = array<i32>} : memref<4112xi32, #tpu.memory_space<vmem>>, vector<16xi32>,
        tpu.vector_store_idx %arg18[%get3A_432], %gather3A masked %lt3A_429 : memref<4096xf32, #tpu.memory_space<vmem>>[vector<16xi32>], vector<16xf32>, vector<16xi1>
      }
      %while3A_423 = arith.constant 1 : i32
      scf.for %while3A_424 = %while3A_421 to %while3A_417 step %while3A_423  : i32 {
        %mul3A_425 = arith.constant 16 : i32
        %mul3A_426 = arith.muli %while3A_424, %mul3A_425 : i32
        %add3A_427 = vector.broadcast %mul3A_426 : i32 to vector<16xi32>
        %add3A_428 = arith.addi %iota3A, %add3A_427 : vector<16xi32>
        %lt3A_429 = arith.cmpi slt, %add3A_428, %broadcast_in_dim3A_387 : vector<16xi32>
        %get3A = arith.index_cast %mul3A_426 : i32 to index
        %get3A_430 = tpu.vector_load %arg14[%get3A] {strides = array<i32>} : memref<4112xi32, #tpu.memory_space<vmem>>, vector<16xi32>,
        %gather3A = tpu.vector_load_idx %arg17[%get3A_430] masked %lt3A_429 : memref<49824xf32, #tpu.memory_space<vmem>>[vector<16xi32>], vector<16xf32>, vector<16xi1>
        %get3A_431 = arith.index_cast %mul3A_426 : i32 to index
        %get3A_432 = tpu.vector_load %arg15[%get3A_431] {strides = array<i32>} : memref<4112xi32, #tpu.memory_space<vmem>>, vector<16xi32>,
        tpu.vector_store_idx %arg18[%get3A_432], %gather3A masked %lt3A_429 : memref<4096xf32, #tpu.memory_space<vmem>>[vector<16xi32>], vector<16xf32>, vector<16xi1>
      }
      "tpu.region"() ({
        %run_scoped3A_424 = tpu.sem_alloc : memref<!tpu.dma_semaphore, #tpu.memory_space<semaphore_mem>>
        %dma_start3A_425 = arith.constant 0 : i32
        %dma_start3A_426 = tpu.memref_slice %arg9[%sub3A_327, %dma_start3A_425] : memref<3x4096xf32, #tpu.memory_space<hbm>> -> memref<1x4096xf32, #tpu.memory_space<hbm>>
        %dma_start3A_427 = tpu.memref_squeeze %dma_start3A_426 : memref<1x4096xf32, #tpu.memory_space<hbm>> -> memref<4096xf32, #tpu.memory_space<hbm>>
        %dma_start3A_428 = arith.constant 0 : i32
        %dma_start3A_429 = tpu.memref_slice %arg9[%sub3A_327, %dma_start3A_428] : memref<3x4096xf32, #tpu.memory_space<hbm>> -> memref<1x4096xf32, #tpu.memory_space<hbm>>
        %dma_start3A_430 = tpu.memref_squeeze %dma_start3A_429 : memref<1x4096xf32, #tpu.memory_space<hbm>> -> memref<4096xf32, #tpu.memory_space<hbm>>
        tpu.enqueue_dma source(%arg18 : memref<4096xf32, #tpu.memory_space<vmem>>) target(%dma_start3A_430 : memref<4096xf32, #tpu.memory_space<hbm>>) target_semaphore(%run_scoped3A_424 : memref<!tpu.dma_semaphore, #tpu.memory_space<semaphore_mem>>)
        %dma_wait3A_431 = arith.constant 0 : i32
        %dma_wait3A_432 = tpu.memref_slice %arg9[%sub3A_327, %dma_wait3A_431] : memref<3x4096xf32, #tpu.memory_space<hbm>> -> memref<1x4096xf32, #tpu.memory_space<hbm>>
        %dma_wait3A_433 = tpu.memref_squeeze %dma_wait3A_432 : memref<1x4096xf32, #tpu.memory_space<hbm>> -> memref<4096xf32, #tpu.memory_space<hbm>>
        %dma_wait3A_434 = arith.constant 0 : i32
        %dma_wait3A_435 = tpu.memref_slice %arg9[%sub3A_327, %dma_wait3A_434] : memref<3x4096xf32, #tpu.memory_space<hbm>> -> memref<1x4096xf32, #tpu.memory_space<hbm>>
        %dma_wait3A_436 = tpu.memref_squeeze %dma_wait3A_435 : memref<1x4096xf32, #tpu.memory_space<hbm>> -> memref<4096xf32, #tpu.memory_space<hbm>>
        tpu.wait_dma2 semaphore(%run_scoped3A_424 : memref<!tpu.dma_semaphore, #tpu.memory_space<semaphore_mem>>) src(%arg18 : memref<4096xf32, #tpu.memory_space<vmem>>) dst(%dma_wait3A_436 : memref<4096xf32, #tpu.memory_space<hbm>>)
        tpu.yield
      }) : () -> ()
    } else {
    }
    %ge3A_318 = arith.constant 75 : i32
    %ge3A_319 = arith.cmpi sge, %add3A_8, %ge3A_318 : i32
    %lt3A_320 = arith.constant 85 : i32
    %lt3A_321 = arith.cmpi slt, %add3A_8, %lt3A_320 : i32
    %and3A_322 = arith.andi %ge3A_319, %lt3A_321 : i1
    %convert_element_type3A_323 = arith.extui %and3A_322 : i1 to i32
    %cond3A_324 = arith.constant 0 : i32
    %cond3A_325 = arith.cmpi ne, %convert_element_type3A_323, %cond3A_324 : i32
    scf.if %cond3A_325 {
      %sub3A_326 = arith.constant 75 : i32
      %sub3A_327 = arith.subi %add3A_8, %sub3A_326 : i32
      %broadcast_in_dim3A_328 = vector.broadcast %sub3A_327 : i32 to vector<16xi32>
      %gather3A = tpu.vector_load_idx %arg20[%broadcast_in_dim3A_328] : memref<10xf32, #tpu.memory_space<vmem>>[vector<16xi32>], vector<16xf32>,
      %scan3A_329 = arith.constant 0 : i32
      %scan3A_330 = arith.constant 0 : i32
      %scan3A_331 = arith.constant 32 : i32
      %scan3A_332 = arith.addi %scan3A_330, %scan3A_331 : i32
      %scan3A_333 = arith.constant 1 : i32
      scf.for %scan3A_335 = %scan3A_330 to %scan3A_332 step %scan3A_333  : i32 {
        %mul3A_336 = arith.constant 128 : i32
        %mul3A_337 = arith.muli %scan3A_335, %mul3A_336 : i32
        %add3A_338 = arith.constant 0 : i32
        %add3A_339 = arith.addi %mul3A_337, %add3A_338 : i32
        %swap3A = arith.index_cast %add3A_339 : i32 to index
        %swap3A_340 = tpu.vector_load %arg18[%swap3A] {strides = array<i32>} : memref<4096xf32, #tpu.memory_space<vmem>>, vector<16xf32>,
        tpu.vector_store %arg18[%swap3A], %gather3A {strides = array<i32>} : memref<4096xf32, #tpu.memory_space<vmem>>, vector<16xf32>,
        %mul3A_341 = arith.constant 128 : i32
        %mul3A_342 = arith.muli %scan3A_335, %mul3A_341 : i32
        %add3A_343 = arith.constant 16 : i32
        %add3A_344 = arith.addi %mul3A_342, %add3A_343 : i32
        %swap3A_345 = arith.index_cast %add3A_344 : i32 to index
        %swap3A_346 = tpu.vector_load %arg18[%swap3A_345] {strides = array<i32>} : memref<4096xf32, #tpu.memory_space<vmem>>, vector<16xf32>,
        tpu.vector_store %arg18[%swap3A_345], %gather3A {strides = array<i32>} : memref<4096xf32, #tpu.memory_space<vmem>>, vector<16xf32>,
        %mul3A_347 = arith.constant 128 : i32
        %mul3A_348 = arith.muli %scan3A_335, %mul3A_347 : i32
        %add3A_349 = arith.constant 32 : i32
        %add3A_350 = arith.addi %mul3A_348, %add3A_349 : i32
        %swap3A_351 = arith.index_cast %add3A_350 : i32 to index
        %swap3A_352 = tpu.vector_load %arg18[%swap3A_351] {strides = array<i32>} : memref<4096xf32, #tpu.memory_space<vmem>>, vector<16xf32>,
        tpu.vector_store %arg18[%swap3A_351], %gather3A {strides = array<i32>} : memref<4096xf32, #tpu.memory_space<vmem>>, vector<16xf32>,
        %mul3A_353 = arith.constant 128 : i32
        %mul3A_354 = arith.muli %scan3A_335, %mul3A_353 : i32
        %add3A_355 = arith.constant 48 : i32
        %add3A_356 = arith.addi %mul3A_354, %add3A_355 : i32
        %swap3A_357 = arith.index_cast %add3A_356 : i32 to index
        %swap3A_358 = tpu.vector_load %arg18[%swap3A_357] {strides = array<i32>} : memref<4096xf32, #tpu.memory_space<vmem>>, vector<16xf32>,
        tpu.vector_store %arg18[%swap3A_357], %gather3A {strides = array<i32>} : memref<4096xf32, #tpu.memory_space<vmem>>, vector<16xf32>,
        %mul3A_359 = arith.constant 128 : i32
        %mul3A_360 = arith.muli %scan3A_335, %mul3A_359 : i32
        %add3A_361 = arith.constant 64 : i32
        %add3A_362 = arith.addi %mul3A_360, %add3A_361 : i32
        %swap3A_363 = arith.index_cast %add3A_362 : i32 to index
        %swap3A_364 = tpu.vector_load %arg18[%swap3A_363] {strides = array<i32>} : memref<4096xf32, #tpu.memory_space<vmem>>, vector<16xf32>,
        tpu.vector_store %arg18[%swap3A_363], %gather3A {strides = array<i32>} : memref<4096xf32, #tpu.memory_space<vmem>>, vector<16xf32>,
        %mul3A_365 = arith.constant 128 : i32
        %mul3A_366 = arith.muli %scan3A_335, %mul3A_365 : i32
        %add3A_367 = arith.constant 80 : i32
        %add3A_368 = arith.addi %mul3A_366, %add3A_367 : i32
        %swap3A_369 = arith.index_cast %add3A_368 : i32 to index
        %swap3A_370 = tpu.vector_load %arg18[%swap3A_369] {strides = array<i32>} : memref<4096xf32, #tpu.memory_space<vmem>>, vector<16xf32>,
        tpu.vector_store %arg18[%swap3A_369], %gather3A {strides = array<i32>} : memref<4096xf32, #tpu.memory_space<vmem>>, vector<16xf32>,
        %mul3A_371 = arith.constant 128 : i32
        %mul3A_372 = arith.muli %scan3A_335, %mul3A_371 : i32
        %add3A_373 = arith.constant 96 : i32
        %add3A_374 = arith.addi %mul3A_372, %add3A_373 : i32
        %swap3A_375 = arith.index_cast %add3A_374 : i32 to index
        %swap3A_376 = tpu.vector_load %arg18[%swap3A_375] {strides = array<i32>} : memref<4096xf32, #tpu.memory_space<vmem>>, vector<16xf32>,
        tpu.vector_store %arg18[%swap3A_375], %gather3A {strides = array<i32>} : memref<4096xf32, #tpu.memory_space<vmem>>, vector<16xf32>,
        %mul3A_377 = arith.constant 128 : i32
        %mul3A_378 = arith.muli %scan3A_335, %mul3A_377 : i32
        %add3A_379 = arith.constant 112 : i32
        %add3A_380 = arith.addi %mul3A_378, %add3A_379 : i32
        %swap3A_381 = arith.index_cast %add3A_380 : i32 to index
        %swap3A_382 = tpu.vector_load %arg18[%swap3A_381] {strides = array<i32>} : memref<4096xf32, #tpu.memory_space<vmem>>, vector<16xf32>,
        tpu.vector_store %arg18[%swap3A_381], %gather3A {strides = array<i32>} : memref<4096xf32, #tpu.memory_space<vmem>>, vector<16xf32>,
      }
      %scan3A_334 = arith.constant 32 : i32
      "tpu.region"() ({
        %run_scoped3A_335 = tpu.sem_alloc : memref<!tpu.dma_semaphore, #tpu.memory_space<semaphore_mem>>
        %dma_start3A_336 = arith.constant 0 : i32
        %dma_start3A_337 = tpu.memref_slice %arg7[%sub3A_327, %dma_start3A_336] : memref<10x4096xf32, #tpu.memory_space<hbm>> -> memref<1x4096xf32, #tpu.memory_space<hbm>>
        %dma_start3A_338 = tpu.memref_squeeze %dma_start3A_337 : memref<1x4096xf32, #tpu.memory_space<hbm>> -> memref<4096xf32, #tpu.memory_space<hbm>>
        %dma_start3A_339 = arith.constant 0 : i32
        %dma_start3A_340 = tpu.memref_slice %arg7[%sub3A_327, %dma_start3A_339] : memref<10x4096xf32, #tpu.memory_space<hbm>> -> memref<1x4096xf32, #tpu.memory_space<hbm>>
        %dma_start3A_341 = tpu.memref_squeeze %dma_start3A_340 : memref<1x4096xf32, #tpu.memory_space<hbm>> -> memref<4096xf32, #tpu.memory_space<hbm>>
        tpu.enqueue_dma source(%arg18 : memref<4096xf32, #tpu.memory_space<vmem>>) target(%dma_start3A_341 : memref<4096xf32, #tpu.memory_space<hbm>>) target_semaphore(%run_scoped3A_335 : memref<!tpu.dma_semaphore, #tpu.memory_space<semaphore_mem>>)
        %dma_wait3A_342 = arith.constant 0 : i32
        %dma_wait3A_343 = tpu.memref_slice %arg7[%sub3A_327, %dma_wait3A_342] : memref<10x4096xf32, #tpu.memory_space<hbm>> -> memref<1x4096xf32, #tpu.memory_space<hbm>>
        %dma_wait3A_344 = tpu.memref_squeeze %dma_wait3A_343 : memref<1x4096xf32, #tpu.memory_space<hbm>> -> memref<4096xf32, #tpu.memory_space<hbm>>
        %dma_wait3A_345 = arith.constant 0 : i32
        %dma_wait3A_346 = tpu.memref_slice %arg7[%sub3A_327, %dma_wait3A_345] : memref<10x4096xf32, #tpu.memory_space<hbm>> -> memref<1x4096xf32, #tpu.memory_space<hbm>>
        %dma_wait3A_347 = tpu.memref_squeeze %dma_wait3A_346 : memref<1x4096xf32, #tpu.memory_space<hbm>> -> memref<4096xf32, #tpu.memory_space<hbm>>
        tpu.wait_dma2 semaphore(%run_scoped3A_335 : memref<!tpu.dma_semaphore, #tpu.memory_space<semaphore_mem>>) src(%arg18 : memref<4096xf32, #tpu.memory_space<vmem>>) dst(%dma_wait3A_347 : memref<4096xf32, #tpu.memory_space<hbm>>)
        tpu.yield
      }) : () -> ()
    } else {
    }
    return
  }
}

</mosaic_0001>

<sc_bundles>
// kernel: kernel.3.cloned.1.call-start
scs
__scs_entry_jumppad:
0x0: {  	(pc) =	sbr.rel $0x88, $3  }
0x1: {  	(tag) =	ssettag $0x0;
	lr =	simm.s32 $0x1  }
0x2: {  	[smem:$0x3F9C] =	sst lr;
	_ =	strace $0xD0000000  }
0x3: {  	_ = 	snop  }
0x4: {  	_ = 	snop  }
0x5: {  	_ = 	snop  }
0x6: {  	_ = 	snop  }
0x7: {  	_ = 	snop  }
__scs_overlays_trampoline_lowered:
0x8: {  	[smem:$0x3FAB] =	sst s0  }
0x9: {  	[smem:$0x3FAC] =	sst s1  }
0xa: {  	[smem:$0x3FAD] =	sst s2  }
0xb: {  	[smem:$0x3FAE] =	sst s3  }
0xc: {  	[smem:$0x3FAF] =	sst s4  }
0xd: {  	[smem:$0x3FB0] =	sst s5  }
0xe: {  	[smem:$0x3FB1] =	sst s6  }
0xf: {  	[smem:$0x3FB2] =	sst s7  }
0x10: {  	[smem:$0x3FB3] =	sst s8  }
0x11: {  	[smem:$0x3FB4] =	sst s9;
	s0 =	simm.s32 @!p0 $0x0  }
0x12: {  	s1 =	sld [smem:$0x3F9A];
	s0 =	simm.s32 @p0 $0x1  }
0x13: {  	[smem:$0x3FB5] =	sst s0;
	s0 =	simm.s32 @!p1 $0x0  }
0x14: {  	s2 =	sld [smem:$0x3F99];
	s0 =	simm.s32 @p1 $0x1  }
0x15: {  	[smem:$0x3FB6] =	sst s0;
	s0 =	simm.s32 @!p2 $0x0  }
0x16: {  	s3 =	sld [smem:$0x3FDB];
	s0 =	simm.s32 @p2 $0x1  }
0x17: {  	s4 =	simm.s32 $0x1BF5;
	[smem:$0x3FB8] =	sst s0  }
0x18: {  	s0 =	sld [smem:$0x3F9B];
	_ =	swait.ge [sflag:s4], $0x0  }
0x19: {  	s7 =	sld [smem:$0x3F9C]  }
0x1a: {  	s8 =	sadd.s32 $0xFFFFE003, lr  }
0x1b: {  	s9 =	sadd.s32 $0xFFFFFEF7, lr;
	s5 =	simm.s32 $0xFFFFFFFF;
	p2 =	slt.u32 s8, $0xFFFFF086  }
0x1c: {  	p1 =	slt.u32 s9, $0xF7A;
	s5 =	simm.s32 @!p2 $0x0  }
0x1d: {  	s5 =	simm.s32 @p1 $0x1;
	p0 =	seq.s32 s7, s2  }
0x1e: {  	s7 =	smul.u32 @!p0 $0xF7A, s2;
	p2 =	seq.s32 @!p0 s5, $0x0  }
0x1f: {  	s9 =	smul.u32 $0xF7A, s1;
	s8 =	simm.s32 @!p0 $0x1BF5;
	p2 =	por !p2, p0  }
0x20: {  	[sflag:s8] =	ssyncset.s32 @!p0 $0xFFFFF086;
	s6 =	sadd.s32 @!p0 s3, s7;
	s7 =	simm.s32 @!p0 $0x108  }
0x21: {  	s3 =	sadd.s32 s3, s9;
	s6 =	sadd.s32 @!p0 $0x88, s6;
	s7 =	simm.s32 @p2 $0x1082  }
0x22: {  	[simem:s7], [sflag:s8] =	dma.local @!p0 [hbm:s6], $0xF7A  }
0x23: {  	s9 =	sor.u32 $0xD0000000, s2;
	s6 =	simm.s32 $0x108;
	_ =	swait.ge @!p0 [sflag:s8], $0x0  }
0x24: {  	s3 =	sadd.s32 $0x88, s3;
	s6 =	simm.s32 @!p1 $0x1082;
	[sflag:s4] =	ssyncset.s32 $0xFFFFF086  }
0x25: {  	[simem:s6], [sflag:s4] =	dma.local [hbm:s3], $0xF7A  }
0x26: {  	[smem:$0x3F9C] =	sst s1;
	(tag) =	ssettag s2;
	_ =	strace s9  }
0x27: {  	s1 =	sld [smem:$0x3FAC]  }
0x28: {  	s2 =	sld [smem:$0x3FAD]  }
0x29: {  	s4 =	sld [smem:$0x3FAF]  }
0x2a: {  	p0 =	seq.s32 s5, $0x0;
	s5 =	sld [smem:$0x3FB0]  }
0x2b: {  	s6 =	sld [smem:$0x3FB1]  }
0x2c: {  	s7 =	sld [smem:$0x3FB2]  }
0x2d: {  	s3 =	simm.s32 $0x108;
	s8 =	sld [smem:$0x3FB3]  }
0x2e: {  	s3 =	simm.s32 @!p0 $0x1082;
	s9 =	sld [smem:$0x3FB4]  }
0x2f: {  	lr =	sadd.s32 s0, s3;
	s0 =	sld [smem:$0x3FAB]  }
0x30: {  	s3 =	sld [smem:$0x3FAE]  }
0x31: {  	[smem:$0x3FB7] =	sst s10  }
0x32: {  	s10 =	sld [smem:$0x3FB5];
	_ =	sdelay $0x3  }
0x33: {  	p0 =	seq.s32 s10, $0x1;
	s10 =	sld [smem:$0x3FB7];
	_ =	sdelay $0x3  }
0x34: {  	[smem:$0x3FB7] =	sst s10  }
0x35: {  	s10 =	sld [smem:$0x3FB6];
	_ =	sdelay $0x3  }
0x36: {  	p1 =	seq.s32 s10, $0x1;
	s10 =	sld [smem:$0x3FB7];
	_ =	sdelay $0x3  }
0x37: {  	[smem:$0x3FB7] =	sst s10  }
0x38: {  	s10 =	sld [smem:$0x3FB8]  }
0x39: {  	_ = 	snop;
	(pc) =	sbr.ind lr, $3  }
0x3a: {  	_ = 	snop  }
0x3b: {  	_ = 	snop  }
0x3c: {  	p2 =	seq.s32 s10, $0x1;
	s10 =	sld [smem:$0x3FB7]  }
0x3d: {  	_ =	shalt  }
0x3e: {  	_ =	shalt  }
0x3f: {  	_ =	shalt  }
0x40: {  	_ =	shalt  }
0x41: {  	_ =	shalt  }
0x42: {  	_ =	shalt  }
0x43: {  	_ =	shalt  }
0x44: {  	_ =	shalt  }
0x45: {  	_ =	shalt  }
0x46: {  	_ =	shalt  }
0x47: {  	_ =	shalt  }
0x48: {  	_ =	shalt  }
0x49: {  	_ =	shalt  }
0x4a: {  	_ =	shalt  }
0x4b: {  	_ =	shalt  }
0x4c: {  	_ =	shalt  }
0x4d: {  	_ =	shalt  }
0x4e: {  	_ =	shalt  }
0x4f: {  	_ =	shalt  }
0x50: {  	_ =	shalt  }
0x51: {  	_ =	shalt  }
0x52: {  	_ =	shalt  }
0x53: {  	_ =	shalt  }
0x54: {  	_ =	shalt  }
0x55: {  	_ =	shalt  }
0x56: {  	_ =	shalt  }
0x57: {  	_ =	shalt  }
0x58: {  	_ =	shalt  }
0x59: {  	_ =	shalt  }
0x5a: {  	_ =	shalt  }
0x5b: {  	_ =	shalt  }
0x5c: {  	_ =	shalt  }
0x5d: {  	_ =	shalt  }
0x5e: {  	_ =	shalt  }
0x5f: {  	_ =	shalt  }
0x60: {  	_ =	shalt  }
0x61: {  	_ =	shalt  }
0x62: {  	_ =	shalt  }
0x63: {  	_ =	shalt  }
0x64: {  	_ =	shalt  }
0x65: {  	_ =	shalt  }
0x66: {  	_ =	shalt  }
0x67: {  	_ =	shalt  }
0x68: {  	_ =	shalt  }
0x69: {  	_ =	shalt  }
0x6a: {  	_ =	shalt  }
0x6b: {  	_ =	shalt  }
0x6c: {  	_ =	shalt  }
0x6d: {  	_ =	shalt  }
0x6e: {  	_ =	shalt  }
0x6f: {  	_ =	shalt  }
0x70: {  	_ =	shalt  }
0x71: {  	_ =	shalt  }
0x72: {  	_ =	shalt  }
0x73: {  	_ =	shalt  }
0x74: {  	_ =	shalt  }
0x75: {  	_ =	shalt  }
0x76: {  	_ =	shalt  }
0x77: {  	_ =	shalt  }
0x78: {  	_ =	shalt  }
0x79: {  	_ =	shalt  }
0x7a: {  	_ =	shalt  }
0x7b: {  	_ =	shalt  }
0x7c: {  	_ =	shalt  }
0x7d: {  	_ =	shalt  }
0x7e: {  	_ =	shalt  }
0x7f: {  	_ =	shalt  }
0x80: {  	_ =	shalt  }
0x81: {  	_ =	shalt  }
0x82: {  	_ =	shalt  }
0x83: {  	_ =	shalt  }
0x84: {  	_ =	shalt  }
0x85: {  	_ =	shalt  }
0x86: {  	_ =	shalt  }
0x87: {  	_ =	shalt  }
.Lfunc_end0:
.L_simem_size_0:
called_computation_lowered:
.L_overlay_start_0:
0x88: {  	s2 =	sld [smem:$0x3FD9]  }
0x89: {  	s3 =	sld [smem:$0x3FFE];
	_ =	sdelay $0x1  }
0x8a: {  	s1 =	srdreg.scid  }
0x8b: {  	s0 =	sand.u32 $0x1, s1  }
0x8c: {  	s15 =	sshll.u32 s0, $0xA;
	s2 =	sadd.s32 s3, s2  }
0x8d: {  	s2 =	sadd.s32 s2, s15  }
0x8e: {  	[smem:$0x3FC3] =	sst s2  }
0x8f: {  	_ = 	snop  }
0x90: {  	s2 =	sld [smem:$0x3FC9]  }
0x91: {  	s16 =	sld [smem:$0x3FC8]  }
0x92: {  	s4 =	sld [smem:$0x3FD0]  }
0x93: {  	s5 =	sld [smem:$0x3FC7]  }
0x94: {  	s6 =	sld [smem:$0x3FC6]  }
0x95: {  	s8 =	simm.s32 $0xA;
	s9 =	simm.s32 $0x10;
	s7 =	sld [smem:$0x3FC5]  }
0x96: {  	[smem:s9], [sflag:s8] =	dma.local [hbm:s4], $0x1  }
0x97: {  	_ =	swait.eq [sflag:s8], $0x1  }
0x98: {  	s17 =	sld [smem:$0x10]  }
0x99: {  	s18 =	sld [smem:$0x11];
	[sflag:s8] =	ssyncset.done $0x0  }
0x9a: {  	s10 =	sld [smem:$0x12];
	[sflag:s8] =	ssyncadd.s32 $0xFFFFFFFF  }
0x9b: {  	s19 =	sld [smem:$0x13];
	(tm) =	ssettm $0x1  }
0x9c: {  	s11 =	sld [smem:$0x3FFB];
	_ =	sdelay $0x3  }
0x9d: {  	_ =	strace s11  }
0x9e: {  	s11 =	sld [smem:$0x3FFC];
	_ =	sdelay $0x3  }
0x9f: {  	_ =	strace s11  }
0xa0: {  	s11 =	sld [smem:$0x3FFD];
	_ =	sdelay $0x3  }
0xa1: {  	_ =	strace s11  }
0xa2: {  	_ =	strace $0x8FFFFFFF  }
0xa3: {  	s20 =	sld [smem:$0x3FDB];
	_ =	sdelay $0x1  }
0xa4: {  	s12 =	simm.s32 $_scs_section_size  }
0xa5: {  	s13 =	simm.s32 $_size__tile_overlayer_lowered;
	s14 =	simm.s32 $_tile_overlayer_lowered  }
0xa6: {  	s23 =	simm.s32 $0x1BFF;
	s22 =	sshll.u32 s14, $0x1;
	s11 =	sadd.s32 s12, s20  }
0xa7: {  	s21 =	sshll.u32 s13, $0x1;
	s15 =	simm.s32 $0x0;
	s13 =	sadd.s32 s22, s11  }
0xa8: {  	[timem:s15], [sflag:s23] =	dma.local [hbm:s13], s21  }
0xa9: {  	_ =	swait.ge [sflag:s23], s21  }
0xaa: {  	s12 =	ssub.s32 $0x0, s21;
	[sflag:s23] =	ssyncset.done $0x0  }
0xab: {  	[sflag:s23] =	ssyncadd.s32 s12;
	_ =	sdelay $0x1  }
0xac: {  	s24 =	simm.s32 $0x1B8B  }
0xad: {  	_ =	swait.ge [sflag:s24], $0x1  }
0xae: {  	[sflag:s24] =	ssyncset.done $0x0  }
0xaf: {  	s25 =	simm.s32 $0x1B8E;
	[sflag:s24] =	ssyncadd.s32 $0xFFFFFFFF  }
0xb0: {  	s26 =	simm.s32 $execute0_lowered;
	[smem:$0x3FD2] =	sst s25  }
0xb1: {  	s12 =	sshll.u32 s26, $0x1;
	_ =	strace $0x80000046;
	[dreg:$0x1] =	wrdreg $0xFFFFFFFF  }
0xb2: {  	s28 =	simm.s32 $_size_execute0_lowered;
	s11 =	sadd.s32 s11, s12;
	[dreg:$0x0] =	wrdreg $0x0  }
0xb3: {  	s12 =	sshll.u32 s28, $0x1;
	[dreg:$0x2] =	wrdreg s11  }
0xb4: {  	[dreg:$0x3] =	wrdreg s12  }
0xb5: {  	[dreg:$0x4] =	wrdreg $0xC0  }
0xb6: {  	_ =	task [dreg:s15], $0x5FFFF  }
0xb7: {  	[dreg:$0x1] =	wrdreg $0xFFFFFFFF  }
0xb8: {  	[dreg:$0x0] =	wrdreg $0x60  }
0xb9: {  	[dreg:$0x2] =	wrdreg s2  }
0xba: {  	[dreg:$0x3] =	wrdreg s16  }
0xbb: {  	[dreg:$0x4] =	wrdreg s5  }
0xbc: {  	[dreg:$0x5] =	wrdreg s6  }
0xbd: {  	[dreg:$0x6] =	wrdreg s7  }
0xbe: {  	[dreg:$0x7] =	wrdreg s17  }
0xbf: {  	[dreg:$0x8] =	wrdreg s18  }
0xc0: {  	[dreg:$0x9] =	wrdreg s10  }
0xc1: {  	[dreg:$0xa] =	wrdreg s19  }
0xc2: {  	[dreg:$0xb] =	wrdreg $0x9  }
0xc3: {  	_ =	task.clear_ibuf [dreg:s15], $0xCFFFF;
	_ =	strace $0x90000046  }
0xc4: {  	s29 =	simm.s32 $0x9;
	_ =	strace $0x80000048  }
0xc5: {  	_ =	swait.ge [sflag:s29], $0x1  }
0xc6: {  	[sflag:s29] =	ssyncadd.s32 $0xFFFFFFFF  }
0xc7: {  	_ =	strace $0x90000048  }
0xc8: {  	_ =	sfence  }
0xc9: {  	s30 =	sld [smem:$0x0];
	_ =	sdelay $0x2  }
0xca: {  	s31 =	sshll.u32 s1, $0xD;
	s1 =	sshrl.u32 s1, $0x2  }
0xcb: {  	s3 =	sand.u32 $0x4000, s31;
	s1 =	sadd.s32 s1, s30  }
0xcc: {  	s0 =	sor.u32 s3, s0;
	s1 =	sshll.u32 s1, $0x11  }
0xcd: {  	s0 =	sor.u32 s1, s0  }
0xce: {  	s0 =	sadd.s32 $0x8F2B, s0  }
0xcf: {  	[sflag:s0] =	ssyncadd.remote.s32 $0x1  }
0xd0: {  	_ =	sfence.sel $0xFFFF  }
0xd1: {  	[dreg:$0x0] =	wrdreg $0xFFFFFFFF;
	(pc) =	sbr.abs _section_cstart, $3  }
0xd2: {  	[dreg:$0x1] =	wrdreg $0xFFFFFFFF  }
0xd3: {  	_ =	task.clear_ibuf [dreg:s15], $0x2FFFF;
	_ =	strace $0x9FFFFFFF  }
0xd4: {  	(tm) =	ssettm $0x7FFFFFFF  }
0xd5: {  	_ =	shalt  }
tec
execute0_lowered:
.L_overlay_start_1:
0x0: {  	(tag) =	ssettag $0x1  }
0x1: {  	s1 =	rddreg [dreg:$0x2]  }
0x2: {  	s3 =	rddreg [dreg:$0x3]  }
0x3: {  	s8 =	rddreg [dreg:$0x4]  }
0x4: {  	s2 =	rddreg [dreg:$0x5]  }
0x5: {  	s12 =	rddreg [dreg:$0x6]  }
0x6: {  	s4 =	srdreg.scid;
	s0 =	rddreg [dreg:$0x7]  }
0x7: {  	s11 =	rddreg [dreg:$0x8];
	s16 =	stileid.u32  }
0x8: {  	s28 =	simm.s32 $0x3;
	s30 =	simm.s32 $0x0;
	s5 =	sand.u32 $0x1, s4  }
0x9: {  	s4 =	simm.s32 $0x0;
	s14 =	sshll.u32 s16, $0x7;
	s21 =	sshll.u32 s16, $0x1  }
0xa: {  	s6 =	sshll.u32 s5, $0x4;
	[smem:$0x7FF] =	sst s4;
	s20 =	ssub.s32 $0x2, s5  }
0xb: {  	s14 =	sand.u32 $0x380, s14;
	s24 =	ssub.s32 s21, s5;
	s6 =	sor.u32 s16, s6  }
0xc: {  	s13 =	sshrl.u32 s20, $0x1;
	_ =	strace $0x80000047;
	s25 =	sshll.u32 s24, $0x4  }
0xd: {  	s26 =	sadd.s32 $0xFFFFFFF9, s24;
	p6 =	sgt.s32 s24, $0x3;
	s7 =	sshrl.u32 s6, $0x3  }
0xe: {  	s13 =	ssub.s32 s20, s13;
	s29 =	sshrl.u32 s26, $0x2;
	s18 =	sshll.u32 s26, $0x7  }
0xf: {  	p1 =	sgt.s32 @p6 s24, $0x6;
	s9 =	smul.u32 $0xC3800, s7;
	s10 =	sor.u32 $0x4, s7  }
0x10: {  	s7 =	sshll.u32 s7, $0xF;
	s31 =	smul.u32 $0x61C00, s29;
	s16 =	sand.u32 $0x180, s18  }
0x11: {  	s18 =	sshll.u32 s24, $0x7;
	p2 =	por !p1, !p6;
	p5 =	por p1, !p6  }
0x12: {  	s15 =	smul.u32 $0xC3800, s10;
	s7 =	sor.u32 s14, s7;
	s18 =	sadd.s32 $0xFFFFFE00, s18  }
0x13: {  	s10 =	sshll.u32 s10, $0xF;
	s9 =	sor.u32 s14, s9;
	s7 =	sshrl.u32 s7, $0x3  }
0x14: {  	s19 =	sshrl.u32 s18, $0x3;
	s18 =	simm.s32 $0x80;
	s15 =	sor.u32 s14, s15  }
0x15: {  	s22 =	sshrl.u32 s9, $0x3;
	s9 =	sadd.s32 $0x10, s25;
	s7 =	sadd.s32 s11, s7  }
0x16: {  	s14 =	sor.u32 s14, s10;
	s10 =	sadd.s32 s1, s19;
	s1 =	sadd.s32 $0xFFFFFFF6, s24  }
0x17: {  	s25 =	sshll.u32 s26, $0xC;
	s23 =	sshrl.u32 s15, $0x3;
	s5 =	sadd.s32 s8, s22  }
0x18: {  	s17 =	sand.u32 $0x70, s9;
	s9 =	sor.u32 s16, s31;
	s20 =	sshrl.u32 s14, $0x3  }
0x19: {  	s26 =	sshll.u32 s1, $0x9;
	s15 =	smax.u32 s13, $0x1;
	p0 =	sgt.u32 s1, $0x9  }
0x1a: {  	s6 =	sadd.s32 s8, s23;
	s8 =	sadd.s32 s17, s8;
	s9 =	sshrl.u32 s9, $0x3  }
0x1b: {  	s9 =	sadd.s32 s3, s9;
	s3 =	sadd.s32 s12, s19;
	s12 =	sand.u32 $0xFFFFC000, s25  }
0x1c: {  	s21 =	sadd.s32 s17, s11;
	s11 =	sadd.s32 s11, s20;
	s29 =	sor.u32 s16, s12  }
0x1d: {  	s23 =	sshll.u32 s1, $0x4;
	s14 =	sand.u32 $0x1000, s26;
	s31 =	sshrl.u32 s29, $0x3  }
0x1e: {  	s17 =	simm.s32 $0x4;
	s16 =	sadd.s32 s0, s31;
	s0 =	simm.s32 @!p2 $0x0  }
0x1f: {  	s20 =	simm.s32 $0x5200;
	s0 =	simm.s32 @p2 $0x1;
	p2 =	sgt.s32 @!p2 s24, $0x9  }
0x20: {  	s26 =	simm.s32 $0x1E900;
	p3 =	por @p6 p2, !p1;
	p2 =	por @p6 !p2, !p1  }
0x21: {  	s8 =	sadd.s32 $0xC3800, s8;
	s22 =	sadd.s32 $0x8000, s21;
	p2 =	por !p2, !p6  }
0x22: {  	s19 =	simm.s32 $0x400;
	[smem:$0x7F9] =	sst s0;
	s0 =	simm.s32 @!p2 $0x0  }
0x23: {  	s21 =	simm.s32 $0x11600;
	[dreg:$0xb] =	wrdreg s3;
	s0 =	simm.s32 @p2 $0x1  }
0x24: {  	s25 =	simm.s32 $0x2;
	[smem:$0x7FA] =	sst s0;
	s0 =	simm.s32 @!p0 $0x0  }
0x25: {  	s3 =	sand.u32 $0x70, s23;
	p3 =	por p3, !p6;
	s0 =	simm.s32 @p0 $0x1  }
.Ltmp0:
0x26: {  	[smem:$0x7FB] =	sst s0;
	s0 =	simm.s32 @!p3 $0x0;
	(pc) =	sbr.rel .LBB2_1-.Ltmp0, $4  }
0x27: {  	[dreg:$0xa] =	wrdreg s22;
	s2 =	sadd.s32 s2, s3;
	s0 =	simm.s32 @p3 $0x1  }
0x28: {  	s2 =	sadd.s32 s14, s2;
	[smem:$0x7FC] =	sst s0;
	s0 =	simm.s32 @!p6 $0x0  }
0x29: {  	s22 =	simm.s32 $0x1F900;
	[dreg:$0xc] =	wrdreg s2;
	s0 =	simm.s32 @p6 $0x1  }
0x2a: {  	v1 =	vlaneseq.u32;
	v2 =	vimm.s32 $0x0;
	v0 =	vmov s1;
	s23 =	simm.s32 $0x1;
	s24 =	simm.s32 $0x1D900;
	[smem:$0x7FD] =	sst s0  }
.LBB2_82:
0x2b: {  	[tilespmem:s0+$0x1D970] =	vst v3  }
0x2c: {  	[tilespmem:s0+$0x1D900] =	vst v3  }
0x2d: {  	[tilespmem:s0+$0x1D910] =	vst v3  }
0x2e: {  	[tilespmem:s0+$0x1D920] =	vst v3  }
0x2f: {  	[tilespmem:s0+$0x1D930] =	vst v3  }
0x30: {  	[tilespmem:s0+$0x1D940] =	vst v3  }
0x31: {  	[tilespmem:s0+$0x1D950] =	vst v3  }
0x32: {  	[tilespmem:s0+$0x1D960] =	vst v3;
	s31 =	rddreg [dreg:$0xc]  }
0x33: {  	[hbm4b:s31+s18] =	stream.strided.scatter [tilespmem:s24], [sflag:$0x4], $0x1000, s19, s18, $0x38;
	[tilespmem:$0x1F980] =	vst v63  }
0x34: {  	_ =	swait.ge [sflag:s17], $0x1000  }
0x35: {  	[sflag:s17] =	ssyncset.done $0x0  }
0x36: {  	[sflag:s17] =	ssyncadd.s32 $0xFFFFF000  }
.LBB2_83:
0x37: {  	s30 =	sadd.s32 $0x1, s30  }
0x38: {  	p1 =	sne.s32 s30, s15  }
.Ltmp1:
0x39: {  	_ = 	snop;
	(pc) =	sbr.rel @!p1 .LBB2_84-.Ltmp1, $1  }
0x3a: {  	_ =	sdelay $0x3  }
.LBB2_1:
0x3b: {  	s0 =	rddreg [dreg:$0x0]  }
0x3c: {  	[tilespmem:s4], [sflag:$0x4] =	stream.linear.gather [hbm4b:s0+s4], $0x1000, $0x38;
	[tilespmem:$0x1F980] =	vst v63  }
0x3d: {  	_ =	swait.ge [sflag:s17], $0x1000  }
0x3e: {  	[sflag:s17] =	ssyncset.done $0x0  }
0x3f: {  	[sflag:s17] =	ssyncadd.s32 $0xFFFFF000  }
0x40: {  	[tilespmem:s20], [sflag:$0x1] =	stream.strided.gather [hbm4b:s5+s18], $0xC400, s19, s18, $0x38;
	[tilespmem:$0x1F980] =	vst v63  }
0x41: {  	s31 =	sadd.s32 $0xC400, s5  }
0x42: {  	[tilespmem:s21], [sflag:$0x2] =	stream.strided.gather [hbm4b:s31+s18], $0xC300, s19, s18, $0x38;
	[tilespmem:$0x1F980] =	vst v63  }
0x43: {  	v3 =	vld [tilespmem:s4+$0x0];
	_ =	sdelay $0x4  }
0x44: {  	vm0 =	vlt.s32 v3, $0xC400  }
0x45: {  	v4 =	vsel vm0, $0x1, v2  }
0x46: {  	(xrf0) =	vadd.scan.msk.s32 $0xffff, v4;
	_ =	sdelay $0x5  }
0x47: {  	v4, _, _ =	vpop (xrf0)  }
0x48: {  	(v2sf) =	vpush v4, $0xF  }
0x49: {  	[tilespmem:s4+$0x1000] =	vst.msk vm0, v3;
	v4 =	vor.u32 s4, v1  }
0x4a: {  	vm1 =	vge.s32 v3, $0xC400;
	v3 =	vadd.s32 $0xFFFF3C00, v3;
	[tilespmem:s4+$0x2080] =	vst.msk vm0, v4  }
0x4b: {  	[tilespmem:s4+$0x3100] =	vst.msk vm1, v3  }
0x4c: {  	s1 =	simm.s32 $0x10;
	[tilespmem:s4+$0x4180] =	vst.msk vm1, v4  }
0x4d: {  	v3 =	vld [tilespmem:s1+$0x0];
	_ =	sdelay $0x4  }
0x4e: {  	vm0 =	vlt.s32 v3, $0xC400  }
0x4f: {  	v4 =	vsel vm0, $0x1, v2  }
0x50: {  	(xrf0) =	vadd.scan.msk.s32 $0xffff, v4;
	_ =	sdelay $0x2  }
0x51: {  	s2 =	simm.s32 $0x20;
	s3 =	spop (v2sf)  }
0x52: {  	s0 =	sadd.s32 $0x0, s3;
	s12 =	ssub.s32 $0x0, s3;
	s3 =	simm.s32 $0x10  }
.LBB2_2:
0x53: {  	p1 =	sne.s32 s2, $0xFF0  }
0x54: {  	v4, _, _ =	vpop (xrf0);
	s12 =	sadd.s32 $0x10, s12;
	s13 =	smov.u32 s2;
	s2 =	sadd.s32 $0x10, s2  }
0x55: {  	v5 =	vor.u32 s1, v1;
	[tilespmem:s0+$0x1000] =	vst.msk vm0, v3;
	(v2sf) =	vpush v4, $0xF;
	s1 =	smov.u32 s13  }
0x56: {  	vm1 =	vge.s32 v3, $0xC400;
	v3 =	vadd.s32 $0xFFFF3C00, v3;
	[tilespmem:s0+$0x2080] =	vst.msk vm0, v5  }
0x57: {  	[tilespmem:s12+$0x3100] =	vst.msk vm1, v3  }
0x58: {  	s3 =	sadd.s32 $0x10, s3;
	[tilespmem:s12+$0x4180] =	vst.msk vm1, v5  }
0x59: {  	v3 =	vld [tilespmem:s3+$0x0];
	_ =	sdelay $0x4  }
0x5a: {  	vm0 =	vlt.s32 v3, $0xC400  }
0x5b: {  	v4 =	vsel vm0, $0x1, v2  }
0x5c: {  	(xrf0) =	vadd.scan.msk.s32 $0xffff, v4  }
.Ltmp2:
0x5d: {  	(pc) =	sbr.rel @p1 .LBB2_2-.Ltmp2, $3  }
0x5e: {  	_ =	sdelay $0x1  }
0x5f: {  	s13 =	spop (v2sf)  }
0x60: {  	s0 =	sadd.s32 s0, s13;
	s12 =	ssub.s32 s12, s13  }
0x61: {  	v4, _, _ =	vpop (xrf0)  }
0x62: {  	(v2sf) =	vpush v4, $0xF;
	_ =	sdelay $0x9  }
0x63: {  	[tilespmem:s0+$0x1000] =	vst.msk vm0, v3;
	v4 =	vor.u32 s1, v1  }
0x64: {  	vm1 =	vge.s32 v3, $0xC400;
	v3 =	vadd.s32 $0xFFFF3C00, v3;
	s1 =	sadd.s32 $0x10, s12;
	[tilespmem:s0+$0x2080] =	vst.msk vm0, v4  }
0x65: {  	[tilespmem:s1+$0x3100] =	vst.msk vm1, v3  }
0x66: {  	s2 =	simm.s32 $0x0;
	s14 =	rddreg [dreg:$0x1];
	[tilespmem:s1+$0x4180] =	vst.msk vm1, v4  }
0x67: {  	[tilespmem:s22], [sflag:$0x4] =	stream.linear.gather [hbm4b:s14+s2], $0x80, $0x38;
	[tilespmem:$0x1F980] =	vst v63  }
0x68: {  	s3 =	spop (v2sf)  }
0x69: {  	s12 =	sadd.s32 s0, s3  }
0x6a: {  	s29 =	sadd.s32 $0xF, s12  }
0x6b: {  	s13 =	sand.u32 $0xF, s29  }
0x6c: {  	s14 =	sshra.s32 s29, $0x1F;
	p2 =	slt.s32 s29, $0x1;
	p1 =	sne.s32 s13, $0x0  }
0x6d: {  	s13 =	sshrl.u32 s14, $0x1C;
	p1 =	por !p2, !p1  }
0x6e: {  	s0 =	sadd.s32 s13, s29;
	s13 =	simm.s32 $0x1;
	p1 =	por !p1, !p1  }
0x6f: {  	s0 =	sshra.s32 s0, $0x4;
	s13 =	simm.s32 @!p1 $0x0  }
0x70: {  	s31 =	ssub.s32 s0, s13  }
0x71: {  	_ =	swait.ge [sflag:s17], $0x80;
	p0 =	slt.s32 s31, $0x1  }
.Ltmp3:
0x72: {  	[sflag:s17] =	ssyncset.done $0x0;
	(pc) =	sbr.rel @p0 .LBB2_10-.Ltmp3, $4  }
0x73: {  	[sflag:s17] =	ssyncadd.s32 $0xFFFFFF80  }
0x74: {  	_ =	swait.ge [sflag:s23], $0xC400  }
0x75: {  	s29 =	ssub.s32 s1, s3;
	[sflag:s23] =	ssyncset.done $0x0  }
0x76: {  	v3 =	vmov s12;
	[sflag:s23] =	ssyncadd.s32 $0xFFFF3C00;
	s0 =	sadd.s32 $0x10, s29  }
0x77: {  	p2 =	sne.s32 s31, $0x1  }
.Ltmp4:
0x78: {  	_ = 	snop;
	(pc) =	sbr.rel @!p2 .LBB2_5-.Ltmp4, $3  }
0x79: {  	_ =	sdelay $0x1  }
0x7a: {  	s3 =	simm.s32 $0x1000  }
0x7b: {  	s1 =	simm.s32 $0x2080;
	p1 =	por $0x0, $0x0;
	v4 =	vld [tilespmem:s3+$0x0];
	s3 =	sadd.s32 $0xFFFFFFFF, s31  }
0x7c: {  	_ = 	snop  }
0x7d: {  	v5 =	vor.u32 s2, v1  }
0x7e: {  	vm0 =	vlt.s32 v5, v3;
	_ =	sdelay $0x2  }
0x7f: {  	v5 =	vld [tilespmem:s1+$0x0];
	_ =	sdelay $0x2  }
0x80: {  	v4 =	vld.idx.msk [tilespmem:v4+s20+$0x0], vm0  }
0x81: {  	p2 =	sne.s32 s3, $0x1  }
.Ltmp5:
0x82: {  	_ = 	snop;
	(pc) =	sbr.rel @!p2 .LBB2_7-.Ltmp5, $3  }
0x83: {  	_ =	sdelay $0x1  }
0x84: {  	s12 =	simm.s32 $0x1010;
	s13 =	sadd.s32 $0xFFFFFFFF, s3;
	[tilespmem:v5+s24+$0x0] =	vst.idx.msk vm0, v4  }
0x85: {  	s2 =	simm.s32 $0x10;
	p1 =	por $0x1, $0x1;
	s3 =	simm.s32 $0x2080;
	v4 =	vld [tilespmem:s12+$0x0]  }
.LBB2_8:
0x86: {  	p2 =	sne.s32 s13, $0x1;
	v5 =	vor.u32 s2, v1  }
0x87: {  	vm0 =	vlt.s32 v5, v3;
	_ =	sdelay $0x2  }
0x88: {  	s3 =	sadd.s32 $0x10, s3  }
0x89: {  	v5 =	vld [tilespmem:s3+$0x0];
	_ =	sdelay $0x1  }
0x8a: {  	v4 =	vld.idx.msk [tilespmem:v4+s20+$0x0], vm0;
	_ =	sdelay $0x2  }
.Ltmp6:
0x8b: {  	(pc) =	sbr.rel @p2 .LBB2_8-.Ltmp6, $3  }
0x8c: {  	_ =	sdelay $0x1  }
0x8d: {  	s12 =	sadd.s32 $0x10, s12;
	[tilespmem:v5+s24+$0x0] =	vst.idx.msk vm0, v4  }
0x8e: {  	s13 =	sadd.s32 $0xFFFFFFFF, s13;
	s2 =	sadd.s32 $0x10, s2;
	v4 =	vld [tilespmem:s12+$0x0]  }
.LBB2_9:
0x8f: {  	_ = 	snop  }
0x90: {  	v5 =	vor.u32 s2, v1  }
0x91: {  	vm0 =	vlt.s32 v5, v3  }
0x92: {  	s2 =	sadd.s32 @p1 $0x10, s3  }
0x93: {  	s1 =	smov.u32 @p1 s2  }
0x94: {  	v5 =	vld [tilespmem:s1+$0x0];
	_ =	sdelay $0x2  }
0x95: {  	v4 =	vld.idx.msk [tilespmem:v4+s20+$0x0], vm0;
	_ =	sdelay $0x4  }
0x96: {  	[tilespmem:v5+s24+$0x0] =	vst.idx.msk vm0, v4  }
.LBB2_10:
0x97: {  	s1 =	sadd.s32 $0xF, s0  }
0x98: {  	s2 =	sand.u32 $0xF, s1  }
0x99: {  	s29 =	sshra.s32 s1, $0x1F;
	p2 =	slt.s32 s1, $0x1;
	p1 =	sne.s32 s2, $0x0  }
0x9a: {  	s2 =	sshrl.u32 s29, $0x1C;
	p1 =	por !p2, !p1  }
0x9b: {  	s1 =	sadd.s32 s2, s1;
	s2 =	simm.s32 $0x1;
	p1 =	por !p1, !p1  }
0x9c: {  	s1 =	sshra.s32 s1, $0x4;
	s2 =	simm.s32 @!p1 $0x0  }
0x9d: {  	s2 =	ssub.s32 s1, s2  }
0x9e: {  	p4 =	slt.s32 s2, $0x1  }
.Ltmp7:
0x9f: {  	_ = 	snop;
	(pc) =	sbr.rel @p4 .LBB2_17-.Ltmp7, $4  }
0xa0: {  	[tilespmem:s20], [sflag:$0x1] =	stream.strided.gather [hbm4b:s6+s18], $0xC400, s19, s18, $0x38;
	[tilespmem:$0x1F980] =	vst v63  }
0xa1: {  	_ =	swait.ge [sflag:s25], $0xC300  }
0xa2: {  	[sflag:s25] =	ssyncset.done $0x0  }
0xa3: {  	v4 =	vmov s0;
	[sflag:s25] =	ssyncadd.s32 $0xFFFF3D00  }
0xa4: {  	p2 =	sne.s32 s2, $0x1  }
.Ltmp8:
0xa5: {  	_ = 	snop;
	(pc) =	sbr.rel @!p2 .LBB2_12-.Ltmp8, $3  }
0xa6: {  	_ =	sdelay $0x1  }
0xa7: {  	s3 =	simm.s32 $0x3100;
	s0 =	simm.s32 $0x4180  }
0xa8: {  	s1 =	simm.s32 $0x0;
	p1 =	por $0x0, $0x0;
	v5 =	vld [tilespmem:s3+$0x0];
	s3 =	sadd.s32 $0xFFFFFFFF, s2  }
0xa9: {  	_ = 	snop  }
0xaa: {  	v6 =	vor.u32 s1, v1  }
0xab: {  	vm0 =	vlt.s32 v6, v4;
	_ =	sdelay $0x2  }
0xac: {  	v6 =	vld [tilespmem:s0+$0x0];
	_ =	sdelay $0x2  }
0xad: {  	v5 =	vld.idx.msk [tilespmem:v5+s21+$0x0], vm0  }
0xae: {  	p2 =	sne.s32 s3, $0x1  }
.Ltmp9:
0xaf: {  	_ = 	snop;
	(pc) =	sbr.rel @!p2 .LBB2_14-.Ltmp9, $3  }
0xb0: {  	_ =	sdelay $0x1  }
0xb1: {  	s12 =	simm.s32 $0x3110;
	s13 =	sadd.s32 $0xFFFFFFFF, s3;
	[tilespmem:v6+s24+$0x0] =	vst.idx.msk vm0, v5  }
0xb2: {  	s1 =	simm.s32 $0x10;
	p1 =	por $0x1, $0x1;
	s3 =	simm.s32 $0x4180;
	v5 =	vld [tilespmem:s12+$0x0]  }
.LBB2_15:
0xb3: {  	p2 =	sne.s32 s13, $0x1;
	v6 =	vor.u32 s1, v1  }
0xb4: {  	vm0 =	vlt.s32 v6, v4;
	_ =	sdelay $0x2  }
0xb5: {  	s3 =	sadd.s32 $0x10, s3  }
0xb6: {  	v6 =	vld [tilespmem:s3+$0x0];
	_ =	sdelay $0x1  }
0xb7: {  	v5 =	vld.idx.msk [tilespmem:v5+s21+$0x0], vm0;
	_ =	sdelay $0x2  }
.Ltmp10:
0xb8: {  	(pc) =	sbr.rel @p2 .LBB2_15-.Ltmp10, $3  }
0xb9: {  	_ =	sdelay $0x1  }
0xba: {  	s12 =	sadd.s32 $0x10, s12;
	[tilespmem:v6+s24+$0x0] =	vst.idx.msk vm0, v5  }
0xbb: {  	s13 =	sadd.s32 $0xFFFFFFFF, s13;
	s1 =	sadd.s32 $0x10, s1;
	v5 =	vld [tilespmem:s12+$0x0]  }
.LBB2_16:
0xbc: {  	_ = 	snop  }
0xbd: {  	v6 =	vor.u32 s1, v1  }
0xbe: {  	vm0 =	vlt.s32 v6, v4  }
0xbf: {  	s1 =	sadd.s32 @p1 $0x10, s3  }
0xc0: {  	s0 =	smov.u32 @p1 s1  }
0xc1: {  	v6 =	vld [tilespmem:s0+$0x0];
	_ =	sdelay $0x2  }
0xc2: {  	v5 =	vld.idx.msk [tilespmem:v5+s21+$0x0], vm0;
	_ =	sdelay $0x4  }
0xc3: {  	[tilespmem:v6+s24+$0x0] =	vst.idx.msk vm0, v5  }
.LBB2_17:
0xc4: {  	s0 =	sadd.s32 $0xC400, s6  }
0xc5: {  	[tilespmem:s21], [sflag:$0x2] =	stream.strided.gather [hbm4b:s0+s18], $0xC300, s19, s18, $0x38;
	[tilespmem:$0x1F980] =	vst v63  }
.Ltmp11:
0xc6: {  	_ = 	snop;
	(pc) =	sbr.rel @p0 .LBB2_24-.Ltmp11, $4  }
0xc7: {  	[hbm4b:s7+s18] =	stream.strided.scatter [tilespmem:s24], [sflag:$0x3], $0x1000, s19, s18, $0x38;
	[tilespmem:$0x1F980] =	vst v63  }
0xc8: {  	_ =	swait.ge [sflag:s23], $0xC400  }
0xc9: {  	[sflag:s23] =	ssyncset.done $0x0  }
0xca: {  	[sflag:s23] =	ssyncadd.s32 $0xFFFF3C00  }
0xcb: {  	p2 =	sne.s32 s31, $0x1  }
.Ltmp12:
0xcc: {  	_ = 	snop;
	(pc) =	sbr.rel @!p2 .LBB2_19-.Ltmp12, $3  }
0xcd: {  	_ =	sdelay $0x1  }
0xce: {  	s3 =	simm.s32 $0x1000;
	s0 =	simm.s32 $0x2080  }
0xcf: {  	s1 =	simm.s32 $0x0;
	p1 =	por $0x0, $0x0;
	v5 =	vld [tilespmem:s3+$0x0];
	s3 =	sadd.s32 $0xFFFFFFFF, s31  }
0xd0: {  	_ = 	snop  }
0xd1: {  	v6 =	vor.u32 s1, v1  }
0xd2: {  	vm0 =	vlt.s32 v6, v3;
	_ =	sdelay $0x2  }
0xd3: {  	v6 =	vld [tilespmem:s0+$0x0];
	_ =	sdelay $0x2  }
0xd4: {  	v5 =	vld.idx.msk [tilespmem:v5+s20+$0x0], vm0  }
0xd5: {  	p2 =	sne.s32 s3, $0x1  }
.Ltmp13:
0xd6: {  	_ = 	snop;
	(pc) =	sbr.rel @!p2 .LBB2_21-.Ltmp13, $3  }
0xd7: {  	_ =	sdelay $0x1  }
0xd8: {  	s12 =	simm.s32 $0x1010;
	s13 =	sadd.s32 $0xFFFFFFFF, s3;
	[tilespmem:v6+s26+$0x0] =	vst.idx.msk vm0, v5  }
0xd9: {  	s1 =	simm.s32 $0x10;
	p1 =	por $0x1, $0x1;
	s3 =	simm.s32 $0x2080;
	v5 =	vld [tilespmem:s12+$0x0]  }
.LBB2_22:
0xda: {  	p2 =	sne.s32 s13, $0x1;
	v6 =	vor.u32 s1, v1  }
0xdb: {  	vm0 =	vlt.s32 v6, v3;
	_ =	sdelay $0x2  }
0xdc: {  	s3 =	sadd.s32 $0x10, s3  }
0xdd: {  	v6 =	vld [tilespmem:s3+$0x0];
	_ =	sdelay $0x1  }
0xde: {  	v5 =	vld.idx.msk [tilespmem:v5+s20+$0x0], vm0;
	_ =	sdelay $0x2  }
.Ltmp14:
0xdf: {  	(pc) =	sbr.rel @p2 .LBB2_22-.Ltmp14, $3  }
0xe0: {  	_ =	sdelay $0x1  }
0xe1: {  	s12 =	sadd.s32 $0x10, s12;
	[tilespmem:v6+s26+$0x0] =	vst.idx.msk vm0, v5  }
0xe2: {  	s13 =	sadd.s32 $0xFFFFFFFF, s13;
	s1 =	sadd.s32 $0x10, s1;
	v5 =	vld [tilespmem:s12+$0x0]  }
.LBB2_23:
0xe3: {  	_ = 	snop  }
0xe4: {  	v6 =	vor.u32 s1, v1  }
0xe5: {  	vm0 =	vlt.s32 v6, v3  }
0xe6: {  	s1 =	sadd.s32 @p1 $0x10, s3  }
0xe7: {  	s0 =	smov.u32 @p1 s1  }
0xe8: {  	v6 =	vld [tilespmem:s0+$0x0];
	_ =	sdelay $0x2  }
0xe9: {  	v5 =	vld.idx.msk [tilespmem:v5+s20+$0x0], vm0;
	_ =	sdelay $0x4  }
0xea: {  	[tilespmem:v6+s26+$0x0] =	vst.idx.msk vm0, v5  }
.LBB2_24:
0xeb: {  	s0 =	simm.s32 @!p0 $0x0  }
0xec: {  	s1 =	simm.s32 @!p3 $0x200;
	s0 =	simm.s32 @p0 $0x1  }
0xed: {  	s3 =	simm.s32 @!p3 $0x5200;
	[smem:$0x7F8] =	sst s0;
	s0 =	simm.s32 @!p3 $0x80  }
0xee: {  	[tilespmem:s3], [sflag:$0x1] =	stream.strided.gather @!p3 [hbm4b:s9+s0], $0xC400, s1, s0, $0x38;
	[tilespmem:$0x1F980] =	vst v63  }
0xef: {  	s0 =	simm.s32 @!p5 $0x80;
	s1 =	simm.s32 @!p5 $0x200;
	s3 =	simm.s32 @!p5 $0x5200  }
0xf0: {  	[tilespmem:s3], [sflag:$0x1] =	stream.strided.gather @!p5 [hbm4b:s10+s0], $0xC400, s1, s0, $0x38;
	[tilespmem:$0x1F980] =	vst v63  }
0xf1: {  	s3 =	simm.s32 @!p6 $0x80  }
.Ltmp15:
0xf2: {  	s0 =	simm.s32 @!p6 $0x400;
	s1 =	simm.s32 @!p6 $0x5200;
	(pc) =	sbr.rel @p4 .LBB2_31-.Ltmp15, $4  }
0xf3: {  	[tilespmem:s1], [sflag:$0x1] =	stream.strided.gather @!p6 [hbm4b:s8+s3], $0xC400, s0, s3, $0x38;
	[tilespmem:$0x1F980] =	vst v63  }
0xf4: {  	_ =	swait.ge [sflag:s25], $0xC300  }
0xf5: {  	[sflag:s25] =	ssyncset.done $0x0  }
0xf6: {  	p0 =	por p5, p5;
	[sflag:s25] =	ssyncadd.s32 $0xFFFF3D00  }
0xf7: {  	p2 =	sne.s32 s2, $0x1  }
.Ltmp16:
0xf8: {  	_ = 	snop;
	(pc) =	sbr.rel @!p2 .LBB2_26-.Ltmp16, $3  }
0xf9: {  	_ =	sdelay $0x1  }
0xfa: {  	s13 =	simm.s32 $0x3100;
	s1 =	simm.s32 $0x4180  }
0xfb: {  	s12 =	simm.s32 $0x0;
	p1 =	por $0x0, $0x0;
	v5 =	vld [tilespmem:s13+$0x0];
	s13 =	sadd.s32 $0xFFFFFFFF, s2  }
0xfc: {  	_ = 	snop  }
0xfd: {  	v6 =	vor.u32 s12, v1  }
0xfe: {  	vm0 =	vlt.s32 v6, v4;
	_ =	sdelay $0x2  }
0xff: {  	v6 =	vld [tilespmem:s1+$0x0];
	_ =	sdelay $0x2  }
0x100: {  	v5 =	vld.idx.msk [tilespmem:v5+s21+$0x0], vm0  }
0x101: {  	p2 =	sne.s32 s13, $0x1  }
.Ltmp17:
0x102: {  	_ = 	snop;
	(pc) =	sbr.rel @!p2 .LBB2_28-.Ltmp17, $3  }
0x103: {  	_ =	sdelay $0x1  }
0x104: {  	s29 =	simm.s32 $0x3110;
	s14 =	sadd.s32 $0xFFFFFFFF, s13;
	[tilespmem:v6+s26+$0x0] =	vst.idx.msk vm0, v5  }
0x105: {  	s12 =	simm.s32 $0x10;
	p1 =	por $0x1, $0x1;
	s13 =	simm.s32 $0x4180;
	v5 =	vld [tilespmem:s29+$0x0]  }
.LBB2_29:
0x106: {  	p2 =	sne.s32 s14, $0x1;
	v6 =	vor.u32 s12, v1  }
0x107: {  	vm0 =	vlt.s32 v6, v4;
	_ =	sdelay $0x2  }
0x108: {  	s13 =	sadd.s32 $0x10, s13  }
0x109: {  	v6 =	vld [tilespmem:s13+$0x0];
	_ =	sdelay $0x1  }
0x10a: {  	v5 =	vld.idx.msk [tilespmem:v5+s21+$0x0], vm0;
	_ =	sdelay $0x2  }
.Ltmp18:
0x10b: {  	(pc) =	sbr.rel @p2 .LBB2_29-.Ltmp18, $3  }
0x10c: {  	_ =	sdelay $0x1  }
0x10d: {  	s29 =	sadd.s32 $0x10, s29;
	[tilespmem:v6+s26+$0x0] =	vst.idx.msk vm0, v5  }
0x10e: {  	s14 =	sadd.s32 $0xFFFFFFFF, s14;
	s12 =	sadd.s32 $0x10, s12;
	v5 =	vld [tilespmem:s29+$0x0]  }
.LBB2_30:
0x10f: {  	_ = 	snop  }
0x110: {  	v6 =	vor.u32 s12, v1  }
0x111: {  	vm0 =	vlt.s32 v6, v4  }
0x112: {  	s12 =	sadd.s32 @p1 $0x10, s13  }
0x113: {  	s1 =	smov.u32 @p1 s12  }
0x114: {  	v6 =	vld [tilespmem:s1+$0x0];
	_ =	sdelay $0x2  }
0x115: {  	v5 =	vld.idx.msk [tilespmem:v5+s21+$0x0], vm0;
	_ =	sdelay $0x4  }
0x116: {  	[tilespmem:v6+s26+$0x0] =	vst.idx.msk vm0, v5  }
.LBB2_31:
0x117: {  	s1 =	sld [smem:$0x7F9]  }
0x118: {  	s12 =	sld [smem:$0x7FA]  }
0x119: {  	p1 =	por @!p3 $0x1, $0x1  }
0x11a: {  	p3 =	por @!p3 $0x0, $0x0;
	s14 =	sld [smem:$0x7FD];
	p6 =	seq.s32 s1, $0x1  }
0x11b: {  	s1 =	simm.s32 @!p4 $0x0;
	p5 =	seq.s32 s12, $0x1;
	p2 =	por @!p6 $0x0, $0x0  }
0x11c: {  	s1 =	simm.s32 @p4 $0x1;
	p4 =	por @!p6 $0x0, $0x0;
	p2 =	por @!p5 p1, p1  }
0x11d: {  	p4 =	por @!p5 p3, p3;
	p1 =	por @!p0 $0x1, $0x1;
	p3 =	por @!p0 $0x0, $0x0  }
0x11e: {  	p3 =	por @!p6 p2, p2;
	p1 =	por @!p6 p4, p4;
	p6 =	seq.s32 s14, $0x1  }
0x11f: {  	[smem:$0x7F7] =	sst s1;
	p2 =	por @!p6 $0x0, $0x0  }
0x120: {  	s1 =	sadd.s32 @!p6 $0xC400, s8;
	s12 =	simm.s32 @!p6 $0x11600;
	p1 =	por @!p6 p2, p2  }
0x121: {  	[tilespmem:s12], [sflag:$0x2] =	stream.strided.gather @!p6 [hbm4b:s1+s3], $0xC300, s0, s3, $0x38;
	[tilespmem:$0x1F980] =	vst v63  }
0x122: {  	p3 =	por @!p6 p2, p2;
	s0 =	sadd.s32 @p1 $0x6200, s10  }
0x123: {  	s1 =	simm.s32 @p1 $0x80;
	s3 =	simm.s32 @p1 $0x200;
	s12 =	simm.s32 @p1 $0x11600  }
0x124: {  	[tilespmem:s12], [sflag:$0x2] =	stream.strided.gather @p1 [hbm4b:s0+s1], $0xC300, s3, s1, $0x38;
	[tilespmem:$0x1F980] =	vst v63  }
0x125: {  	s0 =	sadd.s32 @p3 $0x6200, s9  }
0x126: {  	s1 =	simm.s32 @p3 $0x80;
	s3 =	simm.s32 @p3 $0x200;
	s12 =	simm.s32 @p3 $0x11600  }
0x127: {  	[tilespmem:s12], [sflag:$0x2] =	stream.strided.gather @p3 [hbm4b:s0+s1], $0xC300, s3, s1, $0x38;
	[tilespmem:$0x1F980] =	vst v63  }
0x128: {  	s13 =	sld [smem:$0x7F7];
	_ =	swait.ge [sflag:s28], $0x1000  }
0x129: {  	[sflag:s28] =	ssyncset.done $0x0  }
0x12a: {  	[sflag:s28] =	ssyncadd.s32 $0xFFFFF000  }
0x12b: {  	[hbm4b:s11+s18] =	stream.strided.scatter [tilespmem:s26], [sflag:$0x3], $0x1000, s19, s18, $0x38;
	[tilespmem:$0x1F980] =	vst v63  }
.Ltmp19:
0x12c: {  	_ =	swait.ge [sflag:s28], $0x1000;
	(pc) =	sbr.rel @p6 .LBB2_47-.Ltmp19, $3  }
0x12d: {  	s29 =	sld [smem:$0x7F8];
	_ =	sdelay $0x1  }
0x12e: {  	p5 =	por p0, p0;
	[sflag:s28] =	ssyncset.done $0x0  }
0x12f: {  	p4 =	seq.s32 s13, $0x1;
	[sflag:s28] =	ssyncadd.s32 $0xFFFFF000;
	p0 =	seq.s32 s29, $0x1  }
.Ltmp20:
0x130: {  	(pc) =	sbr.rel @p0 .LBB2_39-.Ltmp20, $4  }
0x131: {  	_ = 	snop  }
0x132: {  	_ =	swait.ge [sflag:s23], $0xC400  }
0x133: {  	[sflag:s23] =	ssyncset.done $0x0  }
0x134: {  	[sflag:s23] =	ssyncadd.s32 $0xFFFF3C00  }
0x135: {  	p4 =	sne.s32 s31, $0x1  }
.Ltmp21:
0x136: {  	_ = 	snop;
	(pc) =	sbr.rel @!p4 .LBB2_34-.Ltmp21, $3  }
0x137: {  	_ =	sdelay $0x1  }
0x138: {  	s3 =	simm.s32 $0x1000;
	s0 =	simm.s32 $0x2080  }
0x139: {  	s1 =	simm.s32 $0x0;
	p2 =	por $0x0, $0x0;
	v5 =	vld [tilespmem:s3+$0x0];
	s3 =	sadd.s32 $0xFFFFFFFF, s31  }
0x13a: {  	_ = 	snop  }
0x13b: {  	v6 =	vor.u32 s1, v1  }
0x13c: {  	vm0 =	vlt.s32 v6, v3;
	_ =	sdelay $0x2  }
0x13d: {  	v6 =	vld [tilespmem:s0+$0x0];
	_ =	sdelay $0x2  }
0x13e: {  	v5 =	vld.idx.msk [tilespmem:v5+s20+$0x0], vm0  }
0x13f: {  	p4 =	sne.s32 s3, $0x1  }
.Ltmp22:
0x140: {  	_ = 	snop;
	(pc) =	sbr.rel @!p4 .LBB2_36-.Ltmp22, $3  }
0x141: {  	_ =	sdelay $0x1  }
0x142: {  	s12 =	simm.s32 $0x1010;
	s13 =	sadd.s32 $0xFFFFFFFF, s3;
	[tilespmem:v6+s24+$0x0] =	vst.idx.msk vm0, v5  }
0x143: {  	s1 =	simm.s32 $0x10;
	p2 =	por $0x1, $0x1;
	s3 =	simm.s32 $0x2080;
	v5 =	vld [tilespmem:s12+$0x0]  }
.LBB2_37:
0x144: {  	p4 =	sne.s32 s13, $0x1;
	v6 =	vor.u32 s1, v1  }
0x145: {  	vm0 =	vlt.s32 v6, v3;
	_ =	sdelay $0x2  }
0x146: {  	s3 =	sadd.s32 $0x10, s3  }
0x147: {  	v6 =	vld [tilespmem:s3+$0x0];
	_ =	sdelay $0x1  }
0x148: {  	v5 =	vld.idx.msk [tilespmem:v5+s20+$0x0], vm0;
	_ =	sdelay $0x2  }
.Ltmp23:
0x149: {  	(pc) =	sbr.rel @p4 .LBB2_37-.Ltmp23, $3  }
0x14a: {  	_ =	sdelay $0x1  }
0x14b: {  	s12 =	sadd.s32 $0x10, s12;
	[tilespmem:v6+s24+$0x0] =	vst.idx.msk vm0, v5  }
0x14c: {  	s13 =	sadd.s32 $0xFFFFFFFF, s13;
	s1 =	sadd.s32 $0x10, s1;
	v5 =	vld [tilespmem:s12+$0x0]  }
.LBB2_38:
0x14d: {  	_ = 	snop  }
0x14e: {  	v6 =	vor.u32 s1, v1  }
0x14f: {  	vm0 =	vlt.s32 v6, v3  }
0x150: {  	s1 =	sadd.s32 @p2 $0x10, s3  }
0x151: {  	s0 =	smov.u32 @p2 s1  }
0x152: {  	v6 =	vld [tilespmem:s0+$0x0];
	_ =	sdelay $0x2  }
0x153: {  	v5 =	vld.idx.msk [tilespmem:v5+s20+$0x0], vm0;
	_ =	sdelay $0x1  }
0x154: {  	s29 =	sld [smem:$0x7F7];
	_ =	sdelay $0x2  }
0x155: {  	p4 =	seq.s32 s29, $0x1;
	[tilespmem:v6+s24+$0x0] =	vst.idx.msk vm0, v5  }
.LBB2_39:
.Ltmp24:
0x156: {  	(pc) =	sbr.rel @p4 .LBB2_46-.Ltmp24, $4  }
0x157: {  	_ = 	snop  }
0x158: {  	_ =	swait.ge [sflag:s25], $0xC300  }
0x159: {  	[sflag:s25] =	ssyncset.done $0x0  }
0x15a: {  	[sflag:s25] =	ssyncadd.s32 $0xFFFF3D00  }
0x15b: {  	p4 =	sne.s32 s2, $0x1  }
.Ltmp25:
0x15c: {  	_ = 	snop;
	(pc) =	sbr.rel @!p4 .LBB2_41-.Ltmp25, $3  }
0x15d: {  	_ =	sdelay $0x1  }
0x15e: {  	s3 =	simm.s32 $0x3100;
	s0 =	simm.s32 $0x4180  }
0x15f: {  	s1 =	simm.s32 $0x0;
	p2 =	por $0x0, $0x0;
	v5 =	vld [tilespmem:s3+$0x0];
	s3 =	sadd.s32 $0xFFFFFFFF, s2  }
0x160: {  	_ = 	snop  }
0x161: {  	v6 =	vor.u32 s1, v1  }
0x162: {  	vm0 =	vlt.s32 v6, v4;
	_ =	sdelay $0x2  }
0x163: {  	v6 =	vld [tilespmem:s0+$0x0];
	_ =	sdelay $0x2  }
0x164: {  	v5 =	vld.idx.msk [tilespmem:v5+s21+$0x0], vm0  }
0x165: {  	p4 =	sne.s32 s3, $0x1  }
.Ltmp26:
0x166: {  	_ = 	snop;
	(pc) =	sbr.rel @!p4 .LBB2_43-.Ltmp26, $3  }
0x167: {  	_ =	sdelay $0x1  }
0x168: {  	s12 =	simm.s32 $0x3110;
	s13 =	sadd.s32 $0xFFFFFFFF, s3;
	[tilespmem:v6+s24+$0x0] =	vst.idx.msk vm0, v5  }
0x169: {  	s1 =	simm.s32 $0x10;
	p2 =	por $0x1, $0x1;
	s3 =	simm.s32 $0x4180;
	v5 =	vld [tilespmem:s12+$0x0]  }
.LBB2_44:
0x16a: {  	p4 =	sne.s32 s13, $0x1;
	v6 =	vor.u32 s1, v1  }
0x16b: {  	vm0 =	vlt.s32 v6, v4;
	_ =	sdelay $0x2  }
0x16c: {  	s3 =	sadd.s32 $0x10, s3  }
0x16d: {  	v6 =	vld [tilespmem:s3+$0x0];
	_ =	sdelay $0x1  }
0x16e: {  	v5 =	vld.idx.msk [tilespmem:v5+s21+$0x0], vm0;
	_ =	sdelay $0x2  }
.Ltmp27:
0x16f: {  	(pc) =	sbr.rel @p4 .LBB2_44-.Ltmp27, $3  }
0x170: {  	_ =	sdelay $0x1  }
0x171: {  	s12 =	sadd.s32 $0x10, s12;
	[tilespmem:v6+s24+$0x0] =	vst.idx.msk vm0, v5  }
0x172: {  	s13 =	sadd.s32 $0xFFFFFFFF, s13;
	s1 =	sadd.s32 $0x10, s1;
	v5 =	vld [tilespmem:s12+$0x0]  }
.LBB2_45:
0x173: {  	_ = 	snop  }
0x174: {  	v6 =	vor.u32 s1, v1  }
0x175: {  	vm0 =	vlt.s32 v6, v4  }
0x176: {  	s1 =	sadd.s32 @p2 $0x10, s3  }
0x177: {  	s0 =	smov.u32 @p2 s1  }
0x178: {  	v6 =	vld [tilespmem:s0+$0x0];
	_ =	sdelay $0x2  }
0x179: {  	v5 =	vld.idx.msk [tilespmem:v5+s21+$0x0], vm0;
	_ =	sdelay $0x1  }
0x17a: {  	s29 =	sld [smem:$0x7F7];
	_ =	sdelay $0x2  }
0x17b: {  	p4 =	seq.s32 s29, $0x1;
	[tilespmem:v6+s24+$0x0] =	vst.idx.msk vm0, v5  }
.LBB2_46:
0x17c: {  	s0 =	rddreg [dreg:$0xa]  }
0x17d: {  	[hbm4b:s0+s18] =	stream.strided.scatter [tilespmem:s24], [sflag:$0x4], $0x1000, s19, s18, $0x38;
	[tilespmem:$0x1F980] =	vst v63  }
0x17e: {  	_ =	swait.ge [sflag:s17], $0x1000  }
0x17f: {  	[sflag:s17] =	ssyncset.done $0x0  }
0x180: {  	[sflag:s17] =	ssyncadd.s32 $0xFFFFF000  }
.LBB2_47:
.Ltmp28:
0x181: {  	(pc) =	sbr.rel @!p1 .LBB2_63-.Ltmp28, $1  }
0x182: {  	_ =	sdelay $0x3  }
.Ltmp29:
0x183: {  	(pc) =	sbr.rel @p0 .LBB2_55-.Ltmp29, $4  }
0x184: {  	_ = 	snop  }
0x185: {  	_ =	swait.ge [sflag:s23], $0xC400  }
0x186: {  	[sflag:s23] =	ssyncset.done $0x0  }
0x187: {  	[sflag:s23] =	ssyncadd.s32 $0xFFFF3C00  }
0x188: {  	p2 =	sne.s32 s31, $0x1  }
.Ltmp30:
0x189: {  	_ = 	snop;
	(pc) =	sbr.rel @!p2 .LBB2_50-.Ltmp30, $3  }
0x18a: {  	_ =	sdelay $0x1  }
0x18b: {  	s3 =	simm.s32 $0x1000;
	s0 =	simm.s32 $0x2080  }
0x18c: {  	s1 =	simm.s32 $0x0;
	p1 =	por $0x0, $0x0;
	v5 =	vld [tilespmem:s3+$0x0];
	s3 =	sadd.s32 $0xFFFFFFFF, s31  }
0x18d: {  	_ = 	snop  }
0x18e: {  	v6 =	vor.u32 s1, v1  }
0x18f: {  	vm0 =	vlt.s32 v6, v3;
	_ =	sdelay $0x2  }
0x190: {  	v6 =	vld [tilespmem:s0+$0x0];
	_ =	sdelay $0x2  }
0x191: {  	v5 =	vld.idx.msk [tilespmem:v5+s20+$0x0], vm0  }
0x192: {  	p2 =	sne.s32 s3, $0x1  }
.Ltmp31:
0x193: {  	_ = 	snop;
	(pc) =	sbr.rel @!p2 .LBB2_52-.Ltmp31, $3  }
0x194: {  	_ =	sdelay $0x1  }
0x195: {  	s12 =	simm.s32 $0x1010;
	s13 =	sadd.s32 $0xFFFFFFFF, s3;
	[tilespmem:v6+s24+$0x0] =	vst.idx.msk vm0, v5  }
0x196: {  	s1 =	simm.s32 $0x10;
	p1 =	por $0x1, $0x1;
	s3 =	simm.s32 $0x2080;
	v5 =	vld [tilespmem:s12+$0x0]  }
.LBB2_53:
0x197: {  	p2 =	sne.s32 s13, $0x1;
	v6 =	vor.u32 s1, v1  }
0x198: {  	vm0 =	vlt.s32 v6, v3;
	_ =	sdelay $0x2  }
0x199: {  	s3 =	sadd.s32 $0x10, s3  }
0x19a: {  	v6 =	vld [tilespmem:s3+$0x0];
	_ =	sdelay $0x1  }
0x19b: {  	v5 =	vld.idx.msk [tilespmem:v5+s20+$0x0], vm0;
	_ =	sdelay $0x2  }
.Ltmp32:
0x19c: {  	(pc) =	sbr.rel @p2 .LBB2_53-.Ltmp32, $3  }
0x19d: {  	_ =	sdelay $0x1  }
0x19e: {  	s12 =	sadd.s32 $0x10, s12;
	[tilespmem:v6+s24+$0x0] =	vst.idx.msk vm0, v5  }
0x19f: {  	s13 =	sadd.s32 $0xFFFFFFFF, s13;
	s1 =	sadd.s32 $0x10, s1;
	v5 =	vld [tilespmem:s12+$0x0]  }
.LBB2_54:
0x1a0: {  	_ = 	snop  }
0x1a1: {  	v6 =	vor.u32 s1, v1  }
0x1a2: {  	vm0 =	vlt.s32 v6, v3  }
0x1a3: {  	s1 =	sadd.s32 @p1 $0x10, s3  }
0x1a4: {  	s0 =	smov.u32 @p1 s1  }
0x1a5: {  	v6 =	vld [tilespmem:s0+$0x0];
	_ =	sdelay $0x2  }
0x1a6: {  	v5 =	vld.idx.msk [tilespmem:v5+s20+$0x0], vm0;
	_ =	sdelay $0x4  }
0x1a7: {  	[tilespmem:v6+s24+$0x0] =	vst.idx.msk vm0, v5  }
.LBB2_55:
.Ltmp33:
0x1a8: {  	(pc) =	sbr.rel @p4 .LBB2_62-.Ltmp33, $4  }
0x1a9: {  	_ = 	snop  }
0x1aa: {  	_ =	swait.ge [sflag:s25], $0xC300  }
0x1ab: {  	[sflag:s25] =	ssyncset.done $0x0  }
0x1ac: {  	[sflag:s25] =	ssyncadd.s32 $0xFFFF3D00  }
0x1ad: {  	p2 =	sne.s32 s2, $0x1  }
.Ltmp34:
0x1ae: {  	_ = 	snop;
	(pc) =	sbr.rel @!p2 .LBB2_57-.Ltmp34, $3  }
0x1af: {  	_ =	sdelay $0x1  }
0x1b0: {  	s3 =	simm.s32 $0x3100;
	s0 =	simm.s32 $0x4180  }
0x1b1: {  	s1 =	simm.s32 $0x0;
	p1 =	por $0x0, $0x0;
	v5 =	vld [tilespmem:s3+$0x0];
	s3 =	sadd.s32 $0xFFFFFFFF, s2  }
0x1b2: {  	_ = 	snop  }
0x1b3: {  	v6 =	vor.u32 s1, v1  }
0x1b4: {  	vm0 =	vlt.s32 v6, v4;
	_ =	sdelay $0x2  }
0x1b5: {  	v6 =	vld [tilespmem:s0+$0x0];
	_ =	sdelay $0x2  }
0x1b6: {  	v5 =	vld.idx.msk [tilespmem:v5+s21+$0x0], vm0  }
0x1b7: {  	p2 =	sne.s32 s3, $0x1  }
.Ltmp35:
0x1b8: {  	_ = 	snop;
	(pc) =	sbr.rel @!p2 .LBB2_59-.Ltmp35, $3  }
0x1b9: {  	_ =	sdelay $0x1  }
0x1ba: {  	s12 =	simm.s32 $0x3110;
	s13 =	sadd.s32 $0xFFFFFFFF, s3;
	[tilespmem:v6+s24+$0x0] =	vst.idx.msk vm0, v5  }
0x1bb: {  	s1 =	simm.s32 $0x10;
	p1 =	por $0x1, $0x1;
	s3 =	simm.s32 $0x4180;
	v5 =	vld [tilespmem:s12+$0x0]  }
.LBB2_60:
0x1bc: {  	p2 =	sne.s32 s13, $0x1;
	v6 =	vor.u32 s1, v1  }
0x1bd: {  	vm0 =	vlt.s32 v6, v4;
	_ =	sdelay $0x2  }
0x1be: {  	s3 =	sadd.s32 $0x10, s3  }
0x1bf: {  	v6 =	vld [tilespmem:s3+$0x0];
	_ =	sdelay $0x1  }
0x1c0: {  	v5 =	vld.idx.msk [tilespmem:v5+s21+$0x0], vm0;
	_ =	sdelay $0x2  }
.Ltmp36:
0x1c1: {  	(pc) =	sbr.rel @p2 .LBB2_60-.Ltmp36, $3  }
0x1c2: {  	_ =	sdelay $0x1  }
0x1c3: {  	s12 =	sadd.s32 $0x10, s12;
	[tilespmem:v6+s24+$0x0] =	vst.idx.msk vm0, v5  }
0x1c4: {  	s13 =	sadd.s32 $0xFFFFFFFF, s13;
	s1 =	sadd.s32 $0x10, s1;
	v5 =	vld [tilespmem:s12+$0x0]  }
.LBB2_61:
0x1c5: {  	_ = 	snop  }
0x1c6: {  	v6 =	vor.u32 s1, v1  }
0x1c7: {  	vm0 =	vlt.s32 v6, v4  }
0x1c8: {  	s1 =	sadd.s32 @p1 $0x10, s3  }
0x1c9: {  	s0 =	smov.u32 @p1 s1  }
0x1ca: {  	v6 =	vld [tilespmem:s0+$0x0];
	_ =	sdelay $0x2  }
0x1cb: {  	v5 =	vld.idx.msk [tilespmem:v5+s21+$0x0], vm0;
	_ =	sdelay $0x4  }
0x1cc: {  	[tilespmem:v6+s24+$0x0] =	vst.idx.msk vm0, v5  }
.LBB2_62:
0x1cd: {  	s0 =	rddreg [dreg:$0xb];
	s1 =	simm.s32 $0x200  }
0x1ce: {  	[hbm4b:s0+s18] =	stream.strided.scatter [tilespmem:s24], [sflag:$0x4], $0x1000, s1, s18, $0x38;
	[tilespmem:$0x1F980] =	vst v63  }
0x1cf: {  	_ =	swait.ge [sflag:s17], $0x1000  }
0x1d0: {  	[sflag:s17] =	ssyncset.done $0x0  }
0x1d1: {  	[sflag:s17] =	ssyncadd.s32 $0xFFFFF000  }
.LBB2_63:
.Ltmp37:
0x1d2: {  	(pc) =	sbr.rel @!p3 .LBB2_79-.Ltmp37, $1  }
0x1d3: {  	_ =	sdelay $0x3  }
.Ltmp38:
0x1d4: {  	(pc) =	sbr.rel @p0 .LBB2_71-.Ltmp38, $4  }
0x1d5: {  	_ = 	snop  }
0x1d6: {  	_ =	swait.ge [sflag:s23], $0xC400  }
0x1d7: {  	[sflag:s23] =	ssyncset.done $0x0  }
0x1d8: {  	[sflag:s23] =	ssyncadd.s32 $0xFFFF3C00  }
0x1d9: {  	p2 =	sne.s32 s31, $0x1  }
.Ltmp39:
0x1da: {  	_ = 	snop;
	(pc) =	sbr.rel @!p2 .LBB2_66-.Ltmp39, $3  }
0x1db: {  	_ =	sdelay $0x1  }
0x1dc: {  	s3 =	simm.s32 $0x1000;
	s0 =	simm.s32 $0x2080  }
0x1dd: {  	s1 =	simm.s32 $0x0;
	p1 =	por $0x0, $0x0;
	v5 =	vld [tilespmem:s3+$0x0];
	s3 =	sadd.s32 $0xFFFFFFFF, s31  }
0x1de: {  	_ = 	snop  }
0x1df: {  	v6 =	vor.u32 s1, v1  }
0x1e0: {  	vm0 =	vlt.s32 v6, v3;
	_ =	sdelay $0x2  }
0x1e1: {  	v6 =	vld [tilespmem:s0+$0x0];
	_ =	sdelay $0x2  }
0x1e2: {  	v5 =	vld.idx.msk [tilespmem:v5+s20+$0x0], vm0  }
0x1e3: {  	p2 =	sne.s32 s3, $0x1  }
.Ltmp40:
0x1e4: {  	_ = 	snop;
	(pc) =	sbr.rel @!p2 .LBB2_68-.Ltmp40, $3  }
0x1e5: {  	_ =	sdelay $0x1  }
0x1e6: {  	s12 =	simm.s32 $0x1010;
	s13 =	sadd.s32 $0xFFFFFFFF, s3;
	[tilespmem:v6+s24+$0x0] =	vst.idx.msk vm0, v5  }
0x1e7: {  	s1 =	simm.s32 $0x10;
	p1 =	por $0x1, $0x1;
	s3 =	simm.s32 $0x2080;
	v5 =	vld [tilespmem:s12+$0x0]  }
.LBB2_69:
0x1e8: {  	p2 =	sne.s32 s13, $0x1;
	v6 =	vor.u32 s1, v1  }
0x1e9: {  	vm0 =	vlt.s32 v6, v3;
	_ =	sdelay $0x2  }
0x1ea: {  	s3 =	sadd.s32 $0x10, s3  }
0x1eb: {  	v6 =	vld [tilespmem:s3+$0x0];
	_ =	sdelay $0x1  }
0x1ec: {  	v5 =	vld.idx.msk [tilespmem:v5+s20+$0x0], vm0;
	_ =	sdelay $0x2  }
.Ltmp41:
0x1ed: {  	(pc) =	sbr.rel @p2 .LBB2_69-.Ltmp41, $3  }
0x1ee: {  	_ =	sdelay $0x1  }
0x1ef: {  	s12 =	sadd.s32 $0x10, s12;
	[tilespmem:v6+s24+$0x0] =	vst.idx.msk vm0, v5  }
0x1f0: {  	s13 =	sadd.s32 $0xFFFFFFFF, s13;
	s1 =	sadd.s32 $0x10, s1;
	v5 =	vld [tilespmem:s12+$0x0]  }
.LBB2_70:
0x1f1: {  	_ = 	snop  }
0x1f2: {  	v6 =	vor.u32 s1, v1  }
0x1f3: {  	vm0 =	vlt.s32 v6, v3  }
0x1f4: {  	s1 =	sadd.s32 @p1 $0x10, s3  }
0x1f5: {  	s0 =	smov.u32 @p1 s1  }
0x1f6: {  	v3 =	vld [tilespmem:s0+$0x0];
	_ =	sdelay $0x2  }
0x1f7: {  	v5 =	vld.idx.msk [tilespmem:v5+s20+$0x0], vm0;
	_ =	sdelay $0x4  }
0x1f8: {  	[tilespmem:v3+s24+$0x0] =	vst.idx.msk vm0, v5  }
.LBB2_71:
.Ltmp42:
0x1f9: {  	(pc) =	sbr.rel @p4 .LBB2_78-.Ltmp42, $4  }
0x1fa: {  	_ = 	snop  }
0x1fb: {  	_ =	swait.ge [sflag:s25], $0xC300  }
0x1fc: {  	[sflag:s25] =	ssyncset.done $0x0  }
0x1fd: {  	[sflag:s25] =	ssyncadd.s32 $0xFFFF3D00  }
0x1fe: {  	p2 =	sne.s32 s2, $0x1  }
.Ltmp43:
0x1ff: {  	_ = 	snop;
	(pc) =	sbr.rel @!p2 .LBB2_73-.Ltmp43, $3  }
0x200: {  	_ =	sdelay $0x1  }
0x201: {  	s3 =	simm.s32 $0x3100;
	s0 =	simm.s32 $0x4180  }
0x202: {  	s1 =	simm.s32 $0x0;
	s2 =	sadd.s32 $0xFFFFFFFF, s2;
	p1 =	por $0x0, $0x0;
	v3 =	vld [tilespmem:s3+$0x0]  }
0x203: {  	_ = 	snop  }
0x204: {  	v5 =	vor.u32 s1, v1  }
0x205: {  	vm0 =	vlt.s32 v5, v4;
	_ =	sdelay $0x2  }
0x206: {  	v5 =	vld [tilespmem:s0+$0x0];
	_ =	sdelay $0x2  }
0x207: {  	v3 =	vld.idx.msk [tilespmem:v3+s21+$0x0], vm0  }
0x208: {  	p2 =	sne.s32 s2, $0x1  }
.Ltmp44:
0x209: {  	_ = 	snop;
	(pc) =	sbr.rel @!p2 .LBB2_75-.Ltmp44, $3  }
0x20a: {  	_ =	sdelay $0x1  }
0x20b: {  	s3 =	simm.s32 $0x3110;
	s12 =	sadd.s32 $0xFFFFFFFF, s2;
	[tilespmem:v5+s24+$0x0] =	vst.idx.msk vm0, v3  }
0x20c: {  	s1 =	simm.s32 $0x10;
	p1 =	por $0x1, $0x1;
	s2 =	simm.s32 $0x4180;
	v3 =	vld [tilespmem:s3+$0x0]  }
.LBB2_76:
0x20d: {  	p2 =	sne.s32 s12, $0x1;
	v5 =	vor.u32 s1, v1  }
0x20e: {  	vm0 =	vlt.s32 v5, v4;
	_ =	sdelay $0x2  }
0x20f: {  	s2 =	sadd.s32 $0x10, s2  }
0x210: {  	v5 =	vld [tilespmem:s2+$0x0];
	_ =	sdelay $0x1  }
0x211: {  	v3 =	vld.idx.msk [tilespmem:v3+s21+$0x0], vm0;
	_ =	sdelay $0x2  }
.Ltmp45:
0x212: {  	(pc) =	sbr.rel @p2 .LBB2_76-.Ltmp45, $3  }
0x213: {  	_ =	sdelay $0x1  }
0x214: {  	s3 =	sadd.s32 $0x10, s3;
	[tilespmem:v5+s24+$0x0] =	vst.idx.msk vm0, v3  }
0x215: {  	s12 =	sadd.s32 $0xFFFFFFFF, s12;
	s1 =	sadd.s32 $0x10, s1;
	v3 =	vld [tilespmem:s3+$0x0]  }
.LBB2_77:
0x216: {  	_ = 	snop  }
0x217: {  	v5 =	vor.u32 s1, v1  }
0x218: {  	vm0 =	vlt.s32 v5, v4  }
0x219: {  	s1 =	sadd.s32 @p1 $0x10, s2  }
0x21a: {  	s0 =	smov.u32 @p1 s1  }
0x21b: {  	v63 =	vld [tilespmem:s0+$0x0];
	_ =	sdelay $0x2  }
0x21c: {  	v3 =	vld.idx.msk [tilespmem:v3+s21+$0x0], vm0;
	_ =	sdelay $0x4  }
0x21d: {  	[tilespmem:v63+s24+$0x0] =	vst.idx.msk vm0, v3  }
.LBB2_78:
0x21e: {  	s0 =	simm.s32 $0x200  }
0x21f: {  	[hbm4b:s16+s18] =	stream.strided.scatter [tilespmem:s24], [sflag:$0x4], $0x1000, s0, s18, $0x38;
	[tilespmem:$0x1F980] =	vst v63  }
0x220: {  	_ =	swait.ge [sflag:s17], $0x1000  }
0x221: {  	[sflag:s17] =	ssyncset.done $0x0  }
0x222: {  	[sflag:s17] =	ssyncadd.s32 $0xFFFFF000  }
.LBB2_79:
0x223: {  	s31 =	sld [smem:$0x7FB];
	_ =	sdelay $0x2  }
0x224: {  	p0 =	seq.s32 s31, $0x1  }
.Ltmp46:
0x225: {  	_ = 	snop;
	(pc) =	sbr.rel @p0 .LBB2_83-.Ltmp46, $2  }
0x226: {  	s0 =	sld [smem:$0x7FC];
	_ =	sdelay $0x2  }
0x227: {  	p3 =	seq.s32 s0, $0x1  }
0x228: {  	_ =	sdelay $0x3  }
0x229: {  	v3 =	vld.idx.msk [tilespmem:v0+s22+$0x0], $0xffff;
	_ =	sdelay $0x3  }
0x22a: {  	s0 =	simm.s32 $0x0;
	s1 =	simm.s32 $0x200  }
.LBB2_81:
0x22b: {  	p1 =	sne.s32 s1, $0x3E00;
	[tilespmem:s0+$0x1D970] =	vst v3  }
0x22c: {  	[tilespmem:s0+$0x1D900] =	vst v3  }
0x22d: {  	[tilespmem:s0+$0x1D910] =	vst v3  }
.Ltmp47:
0x22e: {  	[tilespmem:s0+$0x1D920] =	vst v3;
	(pc) =	sbr.rel @p1 .LBB2_81-.Ltmp47, $4  }
0x22f: {  	[tilespmem:s0+$0x1D930] =	vst v3  }
0x230: {  	[tilespmem:s0+$0x1D940] =	vst v3  }
0x231: {  	[tilespmem:s0+$0x1D950] =	vst v3  }
0x232: {  	[tilespmem:s0+$0x1D960] =	vst v3;
	s0 =	sshra.s32 s1, $0x2;
	s1 =	sadd.s32 $0x200, s1  }
.Ltmp48:
0x233: {  	_ = 	snop;
	(pc) =	sbr.rel .LBB2_82-.Ltmp48, $1  }
0x234: {  	_ =	sdelay $0x3  }
.LBB2_5:
.Ltmp49:
0x235: {  	(pc) =	sbr.rel .LBB2_9-.Ltmp49, $2  }
0x236: {  	_ =	sdelay $0x2  }
0x237: {  	s3 =	simm.s32 $0x2080  }
.LBB2_12:
.Ltmp50:
0x238: {  	(pc) =	sbr.rel .LBB2_16-.Ltmp50, $2  }
0x239: {  	_ =	sdelay $0x2  }
0x23a: {  	s3 =	simm.s32 $0x4180  }
.LBB2_19:
.Ltmp51:
0x23b: {  	(pc) =	sbr.rel .LBB2_23-.Ltmp51, $2  }
0x23c: {  	_ =	sdelay $0x2  }
0x23d: {  	s3 =	simm.s32 $0x2080  }
.LBB2_26:
.Ltmp52:
0x23e: {  	(pc) =	sbr.rel .LBB2_30-.Ltmp52, $2  }
0x23f: {  	_ =	sdelay $0x2  }
0x240: {  	s13 =	simm.s32 $0x4180  }
.LBB2_7:
.Ltmp53:
0x241: {  	(pc) =	sbr.rel .LBB2_9-.Ltmp53, $2  }
0x242: {  	_ =	sdelay $0x2  }
0x243: {  	s3 =	simm.s32 $0x2080  }
.LBB2_14:
.Ltmp54:
0x244: {  	(pc) =	sbr.rel .LBB2_16-.Ltmp54, $2  }
0x245: {  	_ =	sdelay $0x2  }
0x246: {  	s3 =	simm.s32 $0x4180  }
.LBB2_21:
.Ltmp55:
0x247: {  	(pc) =	sbr.rel .LBB2_23-.Ltmp55, $2  }
0x248: {  	_ =	sdelay $0x2  }
0x249: {  	s3 =	simm.s32 $0x2080  }
.LBB2_28:
.Ltmp56:
0x24a: {  	(pc) =	sbr.rel .LBB2_30-.Ltmp56, $2  }
0x24b: {  	_ =	sdelay $0x2  }
0x24c: {  	s13 =	simm.s32 $0x4180  }
.LBB2_34:
.Ltmp57:
0x24d: {  	(pc) =	sbr.rel .LBB2_38-.Ltmp57, $2  }
0x24e: {  	_ =	sdelay $0x2  }
0x24f: {  	s3 =	simm.s32 $0x2080  }
.LBB2_41:
.Ltmp58:
0x250: {  	(pc) =	sbr.rel .LBB2_45-.Ltmp58, $2  }
0x251: {  	_ =	sdelay $0x2  }
0x252: {  	s3 =	simm.s32 $0x4180  }
.LBB2_50:
.Ltmp59:
0x253: {  	(pc) =	sbr.rel .LBB2_54-.Ltmp59, $2  }
0x254: {  	_ =	sdelay $0x2  }
0x255: {  	s3 =	simm.s32 $0x2080  }
.LBB2_57:
.Ltmp60:
0x256: {  	(pc) =	sbr.rel .LBB2_61-.Ltmp60, $2  }
0x257: {  	_ =	sdelay $0x2  }
0x258: {  	s3 =	simm.s32 $0x4180  }
.LBB2_66:
.Ltmp61:
0x259: {  	(pc) =	sbr.rel .LBB2_70-.Ltmp61, $2  }
0x25a: {  	_ =	sdelay $0x2  }
0x25b: {  	s3 =	simm.s32 $0x2080  }
.LBB2_73:
.Ltmp62:
0x25c: {  	(pc) =	sbr.rel .LBB2_77-.Ltmp62, $2  }
0x25d: {  	_ =	sdelay $0x2  }
0x25e: {  	s2 =	simm.s32 $0x4180  }
.LBB2_36:
.Ltmp63:
0x25f: {  	(pc) =	sbr.rel .LBB2_38-.Ltmp63, $2  }
0x260: {  	_ =	sdelay $0x2  }
0x261: {  	s3 =	simm.s32 $0x2080  }
.LBB2_43:
.Ltmp64:
0x262: {  	(pc) =	sbr.rel .LBB2_45-.Ltmp64, $2  }
0x263: {  	_ =	sdelay $0x2  }
0x264: {  	s3 =	simm.s32 $0x4180  }
.LBB2_52:
.Ltmp65:
0x265: {  	(pc) =	sbr.rel .LBB2_54-.Ltmp65, $2  }
0x266: {  	_ =	sdelay $0x2  }
0x267: {  	s3 =	simm.s32 $0x2080  }
.LBB2_59:
.Ltmp66:
0x268: {  	(pc) =	sbr.rel .LBB2_61-.Ltmp66, $2  }
0x269: {  	_ =	sdelay $0x2  }
0x26a: {  	s3 =	simm.s32 $0x4180  }
.LBB2_68:
.Ltmp67:
0x26b: {  	(pc) =	sbr.rel .LBB2_70-.Ltmp67, $2  }
0x26c: {  	_ =	sdelay $0x2  }
0x26d: {  	s3 =	simm.s32 $0x2080  }
.LBB2_75:
.Ltmp68:
0x26e: {  	(pc) =	sbr.rel .LBB2_77-.Ltmp68, $2  }
0x26f: {  	_ =	sdelay $0x2  }
0x270: {  	s2 =	simm.s32 $0x4180  }
.LBB2_84:
0x271: {  	_ =	sfence.sel $0x180000  }
0x272: {  	[bflag:$0x0] =	sbarrier.arrive $0xFFFF  }
0x273: {  	_ =	strace $0x90000047  }
0x274: {  	s0 =	stileid.u32;
	[bflag:$0x2] =	sbarrier.arrive $0xFFFF  }
0x275: {  	p0 =	sne.s32 s0, $0x0;
	s0 =	rddreg [dreg:$0x9]  }
0x276: {  	s0 =	sadd.s32 @!p0 $0x100000, s0  }
0x277: {  	[sflag:s0] =	ssyncadd.tile.s32 @!p0 $0x1;
	_ =	shalt  }
.Lfunc_end2:
_tile_overlayer_lowered:
.L_overlay_start_2:
0x278: {  	(tag) =	ssettag $0x2  }
0x279: {  	s0 =	rddreg [dreg:$0x0];
	s2 =	stileid.u32  }
0x27a: {  	s1 =	rddreg [dreg:$0x1];
	p0 =	sne.s32 s2, $0x0  }
0x27b: {  	s3 =	rddreg [dreg:$0x2];
	[bflag:$0x3] =	sbarrier.arrive $0xFFFF;
	s2 =	simm.s32 @!p0 $0x1C04  }
0x27c: {  	[timem:s3], [sflag:s2] =	dma.local @!p0 [hbm:s0], s1  }
0x27d: {  	s0 =	simm.s32 @!p0 $0x4  }
0x27e: {  	_ =	swait.ge @!p0 [sflag:s0], s1  }
0x27f: {  	s1 =	ssub.s32 @!p0 $0x0, s1;
	[sflag:s0] =	ssyncset.done @!p0 $0x0  }
0x280: {  	[sflag:s0] =	ssyncadd.s32 @!p0 s1  }
0x281: {  	[bflag:$0x3] =	sbarrier.arrive $0xFFFF  }
0x282: {  	_ =	shalt  }

</sc_bundles>
